<compile_context>
chip_gen: v7x
topology: tpu7x:2x2x1
jax: 0.10.2.dev20260603
libtpu: 0.0.44.dev20260713+nightly
codegen_flags: <defaults>
</compile_context>

<pallas_src>
import functools

import jax
import jax.numpy as jnp
from jax import lax
from jax.experimental import pallas as pl
from jax.experimental.pallas import tpu as pltpu
from jax.experimental.pallas import tpu_sc as plsc

N = 10000
D = 128
E = 320000

NC = 2
NS = 16
DH = D // NC
G = 128
NPHASE = 4

EPT = -(-E // (NS * G * 2 * NPHASE)) * (G * 2 * NPHASE)
E_PAD = EPT * NS
ROWS_PT = EPT // G
PH_ROWS = ROWS_PT // NPHASE

NR = -(-(N + 1) // (16 * NS)) * (16 * NS)
RPT = NR // NS

_mesh = plsc.VectorSubcoreMesh(core_axis_name="c", subcore_axis_name="s")


@functools.partial(
    pl.kernel,
    out_type=jax.ShapeDtypeStruct((NC, NR, DH), jnp.float32),
    mesh=_mesh,
    scratch_types=[
        pltpu.VMEM((PH_ROWS, G), jnp.int32),
        pltpu.VMEM((PH_ROWS, G), jnp.int32),
        pltpu.VMEM((G, DH), jnp.float32),
        pltpu.VMEM((G, DH), jnp.float32),
        pltpu.VMEM_SHARED((NR, DH), jnp.float32),
        pltpu.VMEM_SHARED((NR, DH), jnp.float32),
        pltpu.SemaphoreType.DMA,
        pltpu.SemaphoreType.DMA,
        pltpu.SemaphoreType.DMA,
        pltpu.SemaphoreType.DMA,
    ],
)
def _sc_segsum(h_hbm, src_hbm, dst_hbm, out_hbm, src_v, dst_v, rows0, rows1,
               tab_sh, acc_sh, gsem0, gsem1, ssem0, ssem1):
    cid = lax.axis_index("c")
    sid = lax.axis_index("s")
    bufs = (rows0, rows1)
    gsems = (gsem0, gsem1)
    ssems = (ssem0, ssem1)

    for r0 in range(0, 0, G):
        buf = bufs[(r0 // G) % 2]
        pltpu.sync_copy(h_hbm.at[cid].at[pl.ds(sid * RPT + r0, G)], buf)
        pltpu.sync_copy(buf, tab_sh.at[pl.ds(sid * RPT + r0, G)])

    z16 = jnp.zeros((16,), jnp.float32)

    @pl.loop(0, G)
    def _(r):
        for c0 in range(0, DH, 16):
            rows0[r, pl.ds(c0, 16)] = z16

    for r0 in range(0, RPT, G):
        nz = min(RPT - r0, G)
        pltpu.sync_copy(rows0.at[pl.ds(0, nz)],
                        acc_sh.at[pl.ds(sid * RPT + r0, nz)])

    plsc.subcore_barrier()

    def start_gather(k, step):
        pltpu.async_copy(tab_sh.at[src_v.at[step]], bufs[k], gsems[k])

    def wait_gather(k, step):
        pltpu.make_async_copy(tab_sh.at[src_v.at[step]], bufs[k],
                              gsems[k]).wait()

    def start_scatter(k, step):
        pass

    def wait_scatter(k, step):
        pass

    for ph in range(0):
        row0 = sid * ROWS_PT + ph * PH_ROWS
        pltpu.sync_copy(src_hbm.at[pl.ds(row0, PH_ROWS)], src_v)
        pltpu.sync_copy(dst_hbm.at[pl.ds(row0, PH_ROWS)], dst_v)
        for k in range(2):
            start_gather(k, k)

        @pl.loop(0, PH_ROWS - 2, step=2)
        def _(i):
            for k in range(2):
                wait_gather(k, i + k)
                start_scatter(k, i + k)
            for k in range(2):
                wait_scatter(k, i + k)
                start_gather(k, i + 2 + k)

        for k in range(2):
            j = PH_ROWS - 2 + k
            wait_gather(k, j)
            start_scatter(k, j)
        for k in range(2):
            wait_scatter(k, PH_ROWS - 2 + k)

    plsc.subcore_barrier()

    pltpu.sync_copy(acc_sh.at[pl.ds(sid * RPT, RPT)],
                    out_hbm.at[cid].at[pl.ds(sid * RPT, RPT)])


def _split_dot(x2, w):
    a = lax.dot_general(x2[0], w[:, :DH], (((1,), (1,)), ((), ())),
                        precision=lax.Precision.HIGHEST,
                        preferred_element_type=jnp.float32)
    b = lax.dot_general(x2[1], w[:, DH:], (((1,), (1,)), ((), ())),
                        precision=lax.Precision.HIGHEST,
                        preferred_element_type=jnp.float32)
    return a + b


def _tc_layer_body(p_ref, hs_ref, wrel_ref, brel_ref, wroot_ref, o_ref, *,
                   relu, split_out):
    out = _split_dot(p_ref[...], wrel_ref[...])
    out = out + brel_ref[0][None, :]
    out = out + _split_dot(hs_ref[...], wroot_ref[...])
    if relu:
        out = jnp.maximum(out, 0.0)
    if split_out:
        o_ref[0] = out[:, :DH]
        o_ref[1] = out[:, DH:]
    else:
        o_ref[...] = out


RB_SPLIT = 2048
RB_LAST = 2000


def _tc_layer(p, hs, wrel, brel, wroot, relu, split_out):
    rb = RB_SPLIT if split_out else RB_LAST
    grid = (NR // RB_SPLIT,) if split_out else (N // RB_LAST,)
    in_specs = [
        pl.BlockSpec((NC, rb, DH), lambda i: (0, i, 0)),
        pl.BlockSpec((NC, rb, DH), lambda i: (0, i, 0)),
        pl.BlockSpec((D, D), lambda i: (0, 0)),
        pl.BlockSpec((1, D), lambda i: (0, 0)),
        pl.BlockSpec((D, D), lambda i: (0, 0)),
    ]
    if split_out:
        out_shape = jax.ShapeDtypeStruct((NC, NR, DH), jnp.float32)
        out_spec = pl.BlockSpec((NC, rb, DH), lambda i: (0, i, 0))
    else:
        out_shape = jax.ShapeDtypeStruct((N, D), jnp.float32)
        out_spec = pl.BlockSpec((rb, D), lambda i: (i, 0))
    return pl.pallas_call(
        functools.partial(_tc_layer_body, relu=relu, split_out=split_out),
        grid=grid,
        in_specs=in_specs,
        out_specs=out_spec,
        out_shape=out_shape,
    )(p, hs, wrel, brel.reshape(1, D), wroot)


def kernel(in_feat, edge_index, Wrel0, brel0, Wroot0, Wrel1, brel1, Wroot1,
           Wrel2, brel2, Wroot2):
    pad = E_PAD - E
    src = jnp.concatenate([edge_index[0], jnp.zeros((pad,), jnp.int32)])
    dst = jnp.concatenate([edge_index[1], jnp.full((pad,), N, jnp.int32)])
    src2d = src.reshape(E_PAD // G, G)
    dst2d = dst.reshape(E_PAD // G, G)

    hs = jnp.zeros((NC, NR, DH), jnp.float32)
    hs = hs.at[0, :N, :].set(in_feat[:, :DH])
    hs = hs.at[1, :N, :].set(in_feat[:, DH:])

    for l, (wrel, brel, wroot) in enumerate(
            [(Wrel0, brel0, Wroot0), (Wrel1, brel1, Wroot1),
             (Wrel2, brel2, Wroot2)]):
        p = _sc_segsum(hs, src2d, dst2d)
        last = l == 2
        res = _tc_layer(p, hs, wrel, brel, wroot, relu=not last,
                        split_out=not last)
        if last:
            return res
        hs = res

# --- scband reference (transcript-rebuilt; emitter-appended) ---
"""Pipeline reference for scband-gnnconv-56659208569289 (READ-ONLY COPY).

The authoritative reference and input builder live on the scoring server;
editing this copy changes nothing except your own understanding.
"""

import jax, jax.numpy as jnp
import numpy as np

N = 10000
E = 320000
D = 128


def _uniform(key, shape, scale):
    return jax.random.uniform(key, shape, dtype=jnp.float32, minval=-scale, maxval=scale)


def setup_inputs(seed: int = 0) -> dict:
    key = jax.random.key(seed)
    ks = jax.random.split(key, 12)
    in_feat = jax.random.normal(ks[0], (N, D), dtype=jnp.float32)
    edge_index = jax.random.randint(ks[1], (2, E), 0, N, dtype=jnp.int32)
    s = 1.0 / np.sqrt(D)
    inp = {"in_feat": in_feat, "edge_index": edge_index}
    # PyG GraphConv params per layer: lin_rel (weight+bias) applied to aggregated
    # neighbor sum, lin_root (weight, no bias) applied to the node itself.
    for l in range(3):
        inp[f"Wrel{l}"] = _uniform(ks[2 + 3 * l], (D, D), s)
        inp[f"brel{l}"] = _uniform(ks[3 + 3 * l], (D,), s)
        inp[f"Wroot{l}"] = _uniform(ks[4 + 3 * l], (D, D), s)
    return inp


def reference(in_feat, edge_index, Wrel0, brel0, Wroot0, Wrel1, brel1, Wroot1, Wrel2, brel2, Wroot2):
    src = edge_index[0]
    dst = edge_index[1]

    def graph_conv(x, Wrel, brel, Wroot):
        # message = x_j (source node features), sum-aggregated at destination
        msgs = jnp.take(x, src, axis=0)
        agg = jax.ops.segment_sum(msgs, dst, num_segments=N)
        return agg @ Wrel.T + brel + x @ Wroot.T

    h = jax.nn.relu(graph_conv(in_feat, Wrel0, brel0, Wroot0))
    # dropout p=0.0 -> identity; no layer norm; no residual
    h = jax.nn.relu(graph_conv(h, Wrel1, brel1, Wroot1))
    h = graph_conv(h, Wrel2, brel2, Wroot2)
    return h

if __name__ == "__main__":
    import jax
    _d = setup_inputs()
    print(jax.jit(kernel)(*tuple(_d.values())))

</pallas_src>

<mosaic_0001>
#map = affine_map<(d0, d1) -> (0, 0, 0)>
#map1 = affine_map<(d0, d1) -> (0, 0)>
module attributes {stable_mosaic.version = 14 : i64} {
  func.func @_sc_segsum(%arg0: i32, %arg1: i32, %arg2: memref<2x10240x64xf32, #tpu.memory_space<hbm>>, %arg3: memref<2560x128xi32, #tpu.memory_space<hbm>>, %arg4: memref<2560x128xi32, #tpu.memory_space<hbm>>, %arg5: memref<2x10240x64xf32, #tpu.memory_space<hbm>>, %arg6: memref<40x128xi32, #tpu.memory_space<vmem>>, %arg7: memref<40x128xi32, #tpu.memory_space<vmem>>, %arg8: memref<128x64xf32, #tpu.memory_space<vmem>>, %arg9: memref<128x64xf32, #tpu.memory_space<vmem>>, %arg10: memref<10240x64xf32, #tpu.memory_space<vmem_shared>>, %arg11: memref<10240x64xf32, #tpu.memory_space<vmem_shared>>, %arg12: memref<!tpu.dma_semaphore, #tpu.memory_space<semaphore_mem>>, %arg13: memref<!tpu.dma_semaphore, #tpu.memory_space<semaphore_mem>>, %arg14: memref<!tpu.dma_semaphore, #tpu.memory_space<semaphore_mem>>, %arg15: memref<!tpu.dma_semaphore, #tpu.memory_space<semaphore_mem>>) attributes {dimension_semantics = [#tpu.dimension_semantics<core_parallel>, #tpu.dimension_semantics<subcore_parallel>], iteration_bounds = array<i64: 2, 16>, scalar_prefetch = 0 : i64, scratch_operands = 10 : i64, tpu.core_type = #tpu.core_type<sc_vector_subcore>, window_params = [{transform_indices = #map}, {transform_indices = #map1}, {transform_indices = #map1}, {transform_indices = #map}]} {
    %broadcast_in_dim3A = arith.constant 0.000000e+00 : f32
    %broadcast_in_dim3A_0 = vector.broadcast %broadcast_in_dim3A : f32 to vector<16xf32>
    %scan3A = arith.constant 0 : i32
    %scan3A_1 = arith.constant 128 : i32
    %scan3A_2 = arith.addi %scan3A, %scan3A_1 : i32
    %scan3A_3 = arith.constant 1 : i32
    scf.for %scan3A_28 = %scan3A to %scan3A_2 step %scan3A_3  : i32 {
      %mul3A_29 = arith.constant 1 : i32
      %mul3A_30 = arith.muli %scan3A_28, %mul3A_29 : i32
      %add3A_31 = arith.constant 0 : i32
      %add3A_32 = arith.addi %add3A_31, %mul3A_30 : i32
      %swap3A = arith.index_cast %add3A_32 : i32 to index
      %swap3A_33 = arith.constant 0 : index
      %swap3A_34 = tpu.vector_load %arg8[%swap3A, %swap3A_33] {strides = array<i32>} : memref<128x64xf32, #tpu.memory_space<vmem>>, vector<1x16xf32>,
      %swap3A_35 = vector.shape_cast %swap3A_34 : vector<1x16xf32> to vector<16xf32>
      %swap3A_36 = vector.shape_cast %broadcast_in_dim3A_0 : vector<16xf32> to vector<1x16xf32>
      tpu.vector_store %arg8[%swap3A, %swap3A_33], %swap3A_36 {strides = array<i32>} : memref<128x64xf32, #tpu.memory_space<vmem>>, vector<1x16xf32>,
      %swap3A_37 = arith.index_cast %add3A_32 : i32 to index
      %swap3A_38 = arith.constant 16 : index
      %swap3A_39 = tpu.vector_load %arg8[%swap3A_37, %swap3A_38] {strides = array<i32>} : memref<128x64xf32, #tpu.memory_space<vmem>>, vector<1x16xf32>,
      %swap3A_40 = vector.shape_cast %swap3A_39 : vector<1x16xf32> to vector<16xf32>
      %swap3A_41 = vector.shape_cast %broadcast_in_dim3A_0 : vector<16xf32> to vector<1x16xf32>
      tpu.vector_store %arg8[%swap3A_37, %swap3A_38], %swap3A_41 {strides = array<i32>} : memref<128x64xf32, #tpu.memory_space<vmem>>, vector<1x16xf32>,
      %swap3A_42 = arith.index_cast %add3A_32 : i32 to index
      %swap3A_43 = arith.constant 32 : index
      %swap3A_44 = tpu.vector_load %arg8[%swap3A_42, %swap3A_43] {strides = array<i32>} : memref<128x64xf32, #tpu.memory_space<vmem>>, vector<1x16xf32>,
      %swap3A_45 = vector.shape_cast %swap3A_44 : vector<1x16xf32> to vector<16xf32>
      %swap3A_46 = vector.shape_cast %broadcast_in_dim3A_0 : vector<16xf32> to vector<1x16xf32>
      tpu.vector_store %arg8[%swap3A_42, %swap3A_43], %swap3A_46 {strides = array<i32>} : memref<128x64xf32, #tpu.memory_space<vmem>>, vector<1x16xf32>,
      %swap3A_47 = arith.index_cast %add3A_32 : i32 to index
      %swap3A_48 = arith.constant 48 : index
      %swap3A_49 = tpu.vector_load %arg8[%swap3A_47, %swap3A_48] {strides = array<i32>} : memref<128x64xf32, #tpu.memory_space<vmem>>, vector<1x16xf32>,
      %swap3A_50 = vector.shape_cast %swap3A_49 : vector<1x16xf32> to vector<16xf32>
      %swap3A_51 = vector.shape_cast %broadcast_in_dim3A_0 : vector<16xf32> to vector<1x16xf32>
      tpu.vector_store %arg8[%swap3A_47, %swap3A_48], %swap3A_51 {strides = array<i32>} : memref<128x64xf32, #tpu.memory_space<vmem>>, vector<1x16xf32>,
    }
    %scan3A_4 = arith.constant 128 : i32
    %mul3A = arith.constant 640 : i32
    %mul3A_5 = arith.muli %arg1, %mul3A : i32
    %add3A = arith.constant 0 : i32
    %add3A_6 = arith.addi %mul3A_5, %add3A : i32
    "tpu.region"() ({
      %run_scoped3A = tpu.sem_alloc : memref<!tpu.dma_semaphore, #tpu.memory_space<semaphore_mem>>
      %dma_start3A = arith.constant 0 : i32
      %dma_start3A_28 = arith.constant 0 : i32
      %dma_start3A_29 = tpu.memref_slice %arg8[%dma_start3A, %dma_start3A_28] : memref<128x64xf32, #tpu.memory_space<vmem>> -> memref<128x64xf32, #tpu.memory_space<vmem>>
      %dma_start3A_30 = arith.constant 0 : i32
      %dma_start3A_31 = tpu.memref_slice %arg11[%add3A_6, %dma_start3A_30] : memref<10240x64xf32, #tpu.memory_space<vmem_shared>> -> memref<128x64xf32, #tpu.memory_space<vmem_shared>>
      %dma_start3A_32 = arith.constant 0 : i32
      %dma_start3A_33 = tpu.memref_slice %arg11[%add3A_6, %dma_start3A_32] : memref<10240x64xf32, #tpu.memory_space<vmem_shared>> -> memref<128x64xf32, #tpu.memory_space<vmem_shared>>
      %dma_start3A_34 = arith.constant 0 : i32
      %dma_start3A_35 = arith.constant 0 : i32
      %dma_start3A_36 = tpu.memref_slice %arg8[%dma_start3A_34, %dma_start3A_35] : memref<128x64xf32, #tpu.memory_space<vmem>> -> memref<128x64xf32, #tpu.memory_space<vmem>>
      tpu.enqueue_dma source(%dma_start3A_36 : memref<128x64xf32, #tpu.memory_space<vmem>>) target(%dma_start3A_33 : memref<128x64xf32, #tpu.memory_space<vmem_shared>>) target_semaphore(%run_scoped3A : memref<!tpu.dma_semaphore, #tpu.memory_space<semaphore_mem>>)
      %dma_wait3A = arith.constant 0 : i32
      %dma_wait3A_37 = arith.constant 0 : i32
      %dma_wait3A_38 = tpu.memref_slice %arg8[%dma_wait3A, %dma_wait3A_37] : memref<128x64xf32, #tpu.memory_space<vmem>> -> memref<128x64xf32, #tpu.memory_space<vmem>>
      %dma_wait3A_39 = arith.constant 0 : i32
      %dma_wait3A_40 = tpu.memref_slice %arg11[%add3A_6, %dma_wait3A_39] : memref<10240x64xf32, #tpu.memory_space<vmem_shared>> -> memref<128x64xf32, #tpu.memory_space<vmem_shared>>
      %dma_wait3A_41 = arith.constant 0 : i32
      %dma_wait3A_42 = tpu.memref_slice %arg11[%add3A_6, %dma_wait3A_41] : memref<10240x64xf32, #tpu.memory_space<vmem_shared>> -> memref<128x64xf32, #tpu.memory_space<vmem_shared>>
      %dma_wait3A_43 = arith.constant 0 : i32
      %dma_wait3A_44 = arith.constant 0 : i32
      %dma_wait3A_45 = tpu.memref_slice %arg8[%dma_wait3A_43, %dma_wait3A_44] : memref<128x64xf32, #tpu.memory_space<vmem>> -> memref<128x64xf32, #tpu.memory_space<vmem>>
      tpu.wait_dma2 semaphore(%run_scoped3A : memref<!tpu.dma_semaphore, #tpu.memory_space<semaphore_mem>>) src(%dma_wait3A_45 : memref<128x64xf32, #tpu.memory_space<vmem>>) dst(%dma_wait3A_42 : memref<128x64xf32, #tpu.memory_space<vmem_shared>>)
      tpu.yield
    }) : () -> ()
    %mul3A_7 = arith.constant 640 : i32
    %mul3A_8 = arith.muli %arg1, %mul3A_7 : i32
    %add3A_9 = arith.constant 128 : i32
    %add3A_10 = arith.addi %mul3A_8, %add3A_9 : i32
    "tpu.region"() ({
      %run_scoped3A = tpu.sem_alloc : memref<!tpu.dma_semaphore, #tpu.memory_space<semaphore_mem>>
      %dma_start3A = arith.constant 0 : i32
      %dma_start3A_28 = arith.constant 0 : i32
      %dma_start3A_29 = tpu.memref_slice %arg8[%dma_start3A, %dma_start3A_28] : memref<128x64xf32, #tpu.memory_space<vmem>> -> memref<128x64xf32, #tpu.memory_space<vmem>>
      %dma_start3A_30 = arith.constant 0 : i32
      %dma_start3A_31 = tpu.memref_slice %arg11[%add3A_10, %dma_start3A_30] : memref<10240x64xf32, #tpu.memory_space<vmem_shared>> -> memref<128x64xf32, #tpu.memory_space<vmem_shared>>
      %dma_start3A_32 = arith.constant 0 : i32
      %dma_start3A_33 = tpu.memref_slice %arg11[%add3A_10, %dma_start3A_32] : memref<10240x64xf32, #tpu.memory_space<vmem_shared>> -> memref<128x64xf32, #tpu.memory_space<vmem_shared>>
      %dma_start3A_34 = arith.constant 0 : i32
      %dma_start3A_35 = arith.constant 0 : i32
      %dma_start3A_36 = tpu.memref_slice %arg8[%dma_start3A_34, %dma_start3A_35] : memref<128x64xf32, #tpu.memory_space<vmem>> -> memref<128x64xf32, #tpu.memory_space<vmem>>
      tpu.enqueue_dma source(%dma_start3A_36 : memref<128x64xf32, #tpu.memory_space<vmem>>) target(%dma_start3A_33 : memref<128x64xf32, #tpu.memory_space<vmem_shared>>) target_semaphore(%run_scoped3A : memref<!tpu.dma_semaphore, #tpu.memory_space<semaphore_mem>>)
      %dma_wait3A = arith.constant 0 : i32
      %dma_wait3A_37 = arith.constant 0 : i32
      %dma_wait3A_38 = tpu.memref_slice %arg8[%dma_wait3A, %dma_wait3A_37] : memref<128x64xf32, #tpu.memory_space<vmem>> -> memref<128x64xf32, #tpu.memory_space<vmem>>
      %dma_wait3A_39 = arith.constant 0 : i32
      %dma_wait3A_40 = tpu.memref_slice %arg11[%add3A_10, %dma_wait3A_39] : memref<10240x64xf32, #tpu.memory_space<vmem_shared>> -> memref<128x64xf32, #tpu.memory_space<vmem_shared>>
      %dma_wait3A_41 = arith.constant 0 : i32
      %dma_wait3A_42 = tpu.memref_slice %arg11[%add3A_10, %dma_wait3A_41] : memref<10240x64xf32, #tpu.memory_space<vmem_shared>> -> memref<128x64xf32, #tpu.memory_space<vmem_shared>>
      %dma_wait3A_43 = arith.constant 0 : i32
      %dma_wait3A_44 = arith.constant 0 : i32
      %dma_wait3A_45 = tpu.memref_slice %arg8[%dma_wait3A_43, %dma_wait3A_44] : memref<128x64xf32, #tpu.memory_space<vmem>> -> memref<128x64xf32, #tpu.memory_space<vmem>>
      tpu.wait_dma2 semaphore(%run_scoped3A : memref<!tpu.dma_semaphore, #tpu.memory_space<semaphore_mem>>) src(%dma_wait3A_45 : memref<128x64xf32, #tpu.memory_space<vmem>>) dst(%dma_wait3A_42 : memref<128x64xf32, #tpu.memory_space<vmem_shared>>)
      tpu.yield
    }) : () -> ()
    %mul3A_11 = arith.constant 640 : i32
    %mul3A_12 = arith.muli %arg1, %mul3A_11 : i32
    %add3A_13 = arith.constant 256 : i32
    %add3A_14 = arith.addi %mul3A_12, %add3A_13 : i32
    "tpu.region"() ({
      %run_scoped3A = tpu.sem_alloc : memref<!tpu.dma_semaphore, #tpu.memory_space<semaphore_mem>>
      %dma_start3A = arith.constant 0 : i32
      %dma_start3A_28 = arith.constant 0 : i32
      %dma_start3A_29 = tpu.memref_slice %arg8[%dma_start3A, %dma_start3A_28] : memref<128x64xf32, #tpu.memory_space<vmem>> -> memref<128x64xf32, #tpu.memory_space<vmem>>
      %dma_start3A_30 = arith.constant 0 : i32
      %dma_start3A_31 = tpu.memref_slice %arg11[%add3A_14, %dma_start3A_30] : memref<10240x64xf32, #tpu.memory_space<vmem_shared>> -> memref<128x64xf32, #tpu.memory_space<vmem_shared>>
      %dma_start3A_32 = arith.constant 0 : i32
      %dma_start3A_33 = tpu.memref_slice %arg11[%add3A_14, %dma_start3A_32] : memref<10240x64xf32, #tpu.memory_space<vmem_shared>> -> memref<128x64xf32, #tpu.memory_space<vmem_shared>>
      %dma_start3A_34 = arith.constant 0 : i32
      %dma_start3A_35 = arith.constant 0 : i32
      %dma_start3A_36 = tpu.memref_slice %arg8[%dma_start3A_34, %dma_start3A_35] : memref<128x64xf32, #tpu.memory_space<vmem>> -> memref<128x64xf32, #tpu.memory_space<vmem>>
      tpu.enqueue_dma source(%dma_start3A_36 : memref<128x64xf32, #tpu.memory_space<vmem>>) target(%dma_start3A_33 : memref<128x64xf32, #tpu.memory_space<vmem_shared>>) target_semaphore(%run_scoped3A : memref<!tpu.dma_semaphore, #tpu.memory_space<semaphore_mem>>)
      %dma_wait3A = arith.constant 0 : i32
      %dma_wait3A_37 = arith.constant 0 : i32
      %dma_wait3A_38 = tpu.memref_slice %arg8[%dma_wait3A, %dma_wait3A_37] : memref<128x64xf32, #tpu.memory_space<vmem>> -> memref<128x64xf32, #tpu.memory_space<vmem>>
      %dma_wait3A_39 = arith.constant 0 : i32
      %dma_wait3A_40 = tpu.memref_slice %arg11[%add3A_14, %dma_wait3A_39] : memref<10240x64xf32, #tpu.memory_space<vmem_shared>> -> memref<128x64xf32, #tpu.memory_space<vmem_shared>>
      %dma_wait3A_41 = arith.constant 0 : i32
      %dma_wait3A_42 = tpu.memref_slice %arg11[%add3A_14, %dma_wait3A_41] : memref<10240x64xf32, #tpu.memory_space<vmem_shared>> -> memref<128x64xf32, #tpu.memory_space<vmem_shared>>
      %dma_wait3A_43 = arith.constant 0 : i32
      %dma_wait3A_44 = arith.constant 0 : i32
      %dma_wait3A_45 = tpu.memref_slice %arg8[%dma_wait3A_43, %dma_wait3A_44] : memref<128x64xf32, #tpu.memory_space<vmem>> -> memref<128x64xf32, #tpu.memory_space<vmem>>
      tpu.wait_dma2 semaphore(%run_scoped3A : memref<!tpu.dma_semaphore, #tpu.memory_space<semaphore_mem>>) src(%dma_wait3A_45 : memref<128x64xf32, #tpu.memory_space<vmem>>) dst(%dma_wait3A_42 : memref<128x64xf32, #tpu.memory_space<vmem_shared>>)
      tpu.yield
    }) : () -> ()
    %mul3A_15 = arith.constant 640 : i32
    %mul3A_16 = arith.muli %arg1, %mul3A_15 : i32
    %add3A_17 = arith.constant 384 : i32
    %add3A_18 = arith.addi %mul3A_16, %add3A_17 : i32
    "tpu.region"() ({
      %run_scoped3A = tpu.sem_alloc : memref<!tpu.dma_semaphore, #tpu.memory_space<semaphore_mem>>
      %dma_start3A = arith.constant 0 : i32
      %dma_start3A_28 = arith.constant 0 : i32
      %dma_start3A_29 = tpu.memref_slice %arg8[%dma_start3A, %dma_start3A_28] : memref<128x64xf32, #tpu.memory_space<vmem>> -> memref<128x64xf32, #tpu.memory_space<vmem>>
      %dma_start3A_30 = arith.constant 0 : i32
      %dma_start3A_31 = tpu.memref_slice %arg11[%add3A_18, %dma_start3A_30] : memref<10240x64xf32, #tpu.memory_space<vmem_shared>> -> memref<128x64xf32, #tpu.memory_space<vmem_shared>>
      %dma_start3A_32 = arith.constant 0 : i32
      %dma_start3A_33 = tpu.memref_slice %arg11[%add3A_18, %dma_start3A_32] : memref<10240x64xf32, #tpu.memory_space<vmem_shared>> -> memref<128x64xf32, #tpu.memory_space<vmem_shared>>
      %dma_start3A_34 = arith.constant 0 : i32
      %dma_start3A_35 = arith.constant 0 : i32
      %dma_start3A_36 = tpu.memref_slice %arg8[%dma_start3A_34, %dma_start3A_35] : memref<128x64xf32, #tpu.memory_space<vmem>> -> memref<128x64xf32, #tpu.memory_space<vmem>>
      tpu.enqueue_dma source(%dma_start3A_36 : memref<128x64xf32, #tpu.memory_space<vmem>>) target(%dma_start3A_33 : memref<128x64xf32, #tpu.memory_space<vmem_shared>>) target_semaphore(%run_scoped3A : memref<!tpu.dma_semaphore, #tpu.memory_space<semaphore_mem>>)
      %dma_wait3A = arith.constant 0 : i32
      %dma_wait3A_37 = arith.constant 0 : i32
      %dma_wait3A_38 = tpu.memref_slice %arg8[%dma_wait3A, %dma_wait3A_37] : memref<128x64xf32, #tpu.memory_space<vmem>> -> memref<128x64xf32, #tpu.memory_space<vmem>>
      %dma_wait3A_39 = arith.constant 0 : i32
      %dma_wait3A_40 = tpu.memref_slice %arg11[%add3A_18, %dma_wait3A_39] : memref<10240x64xf32, #tpu.memory_space<vmem_shared>> -> memref<128x64xf32, #tpu.memory_space<vmem_shared>>
      %dma_wait3A_41 = arith.constant 0 : i32
      %dma_wait3A_42 = tpu.memref_slice %arg11[%add3A_18, %dma_wait3A_41] : memref<10240x64xf32, #tpu.memory_space<vmem_shared>> -> memref<128x64xf32, #tpu.memory_space<vmem_shared>>
      %dma_wait3A_43 = arith.constant 0 : i32
      %dma_wait3A_44 = arith.constant 0 : i32
      %dma_wait3A_45 = tpu.memref_slice %arg8[%dma_wait3A_43, %dma_wait3A_44] : memref<128x64xf32, #tpu.memory_space<vmem>> -> memref<128x64xf32, #tpu.memory_space<vmem>>
      tpu.wait_dma2 semaphore(%run_scoped3A : memref<!tpu.dma_semaphore, #tpu.memory_space<semaphore_mem>>) src(%dma_wait3A_45 : memref<128x64xf32, #tpu.memory_space<vmem>>) dst(%dma_wait3A_42 : memref<128x64xf32, #tpu.memory_space<vmem_shared>>)
      tpu.yield
    }) : () -> ()
    %mul3A_19 = arith.constant 640 : i32
    %mul3A_20 = arith.muli %arg1, %mul3A_19 : i32
    %add3A_21 = arith.constant 512 : i32
    %add3A_22 = arith.addi %mul3A_20, %add3A_21 : i32
    "tpu.region"() ({
      %run_scoped3A = tpu.sem_alloc : memref<!tpu.dma_semaphore, #tpu.memory_space<semaphore_mem>>
      %dma_start3A = arith.constant 0 : i32
      %dma_start3A_28 = arith.constant 0 : i32
      %dma_start3A_29 = tpu.memref_slice %arg8[%dma_start3A, %dma_start3A_28] : memref<128x64xf32, #tpu.memory_space<vmem>> -> memref<128x64xf32, #tpu.memory_space<vmem>>
      %dma_start3A_30 = arith.constant 0 : i32
      %dma_start3A_31 = tpu.memref_slice %arg11[%add3A_22, %dma_start3A_30] : memref<10240x64xf32, #tpu.memory_space<vmem_shared>> -> memref<128x64xf32, #tpu.memory_space<vmem_shared>>
      %dma_start3A_32 = arith.constant 0 : i32
      %dma_start3A_33 = tpu.memref_slice %arg11[%add3A_22, %dma_start3A_32] : memref<10240x64xf32, #tpu.memory_space<vmem_shared>> -> memref<128x64xf32, #tpu.memory_space<vmem_shared>>
      %dma_start3A_34 = arith.constant 0 : i32
      %dma_start3A_35 = arith.constant 0 : i32
      %dma_start3A_36 = tpu.memref_slice %arg8[%dma_start3A_34, %dma_start3A_35] : memref<128x64xf32, #tpu.memory_space<vmem>> -> memref<128x64xf32, #tpu.memory_space<vmem>>
      tpu.enqueue_dma source(%dma_start3A_36 : memref<128x64xf32, #tpu.memory_space<vmem>>) target(%dma_start3A_33 : memref<128x64xf32, #tpu.memory_space<vmem_shared>>) target_semaphore(%run_scoped3A : memref<!tpu.dma_semaphore, #tpu.memory_space<semaphore_mem>>)
      %dma_wait3A = arith.constant 0 : i32
      %dma_wait3A_37 = arith.constant 0 : i32
      %dma_wait3A_38 = tpu.memref_slice %arg8[%dma_wait3A, %dma_wait3A_37] : memref<128x64xf32, #tpu.memory_space<vmem>> -> memref<128x64xf32, #tpu.memory_space<vmem>>
      %dma_wait3A_39 = arith.constant 0 : i32
      %dma_wait3A_40 = tpu.memref_slice %arg11[%add3A_22, %dma_wait3A_39] : memref<10240x64xf32, #tpu.memory_space<vmem_shared>> -> memref<128x64xf32, #tpu.memory_space<vmem_shared>>
      %dma_wait3A_41 = arith.constant 0 : i32
      %dma_wait3A_42 = tpu.memref_slice %arg11[%add3A_22, %dma_wait3A_41] : memref<10240x64xf32, #tpu.memory_space<vmem_shared>> -> memref<128x64xf32, #tpu.memory_space<vmem_shared>>
      %dma_wait3A_43 = arith.constant 0 : i32
      %dma_wait3A_44 = arith.constant 0 : i32
      %dma_wait3A_45 = tpu.memref_slice %arg8[%dma_wait3A_43, %dma_wait3A_44] : memref<128x64xf32, #tpu.memory_space<vmem>> -> memref<128x64xf32, #tpu.memory_space<vmem>>
      tpu.wait_dma2 semaphore(%run_scoped3A : memref<!tpu.dma_semaphore, #tpu.memory_space<semaphore_mem>>) src(%dma_wait3A_45 : memref<128x64xf32, #tpu.memory_space<vmem>>) dst(%dma_wait3A_42 : memref<128x64xf32, #tpu.memory_space<vmem_shared>>)
      tpu.yield
    }) : () -> ()
    %barrier3A = arith.constant 0 : index
    tpu.barrier barrier_id(%barrier3A)
    %barrier3A_23 = arith.constant 0 : index
    tpu.barrier barrier_id(%barrier3A_23)
    %mul3A_24 = arith.constant 640 : i32
    %mul3A_25 = arith.muli %arg1, %mul3A_24 : i32
    %mul3A_26 = arith.constant 640 : i32
    %mul3A_27 = arith.muli %arg1, %mul3A_26 : i32
    "tpu.region"() ({
      %run_scoped3A = tpu.sem_alloc : memref<!tpu.dma_semaphore, #tpu.memory_space<semaphore_mem>>
      %dma_start3A = arith.constant 0 : i32
      %dma_start3A_28 = arith.constant 0 : i32
      %dma_start3A_29 = tpu.memref_slice %arg5[%arg0, %dma_start3A, %dma_start3A_28] : memref<2x10240x64xf32, #tpu.memory_space<hbm>> -> memref<1x10240x64xf32, #tpu.memory_space<hbm>>
      %dma_start3A_30 = tpu.memref_squeeze %dma_start3A_29 : memref<1x10240x64xf32, #tpu.memory_space<hbm>> -> memref<10240x64xf32, #tpu.memory_space<hbm>>
      %dma_start3A_31 = arith.constant 0 : i32
      %dma_start3A_32 = tpu.memref_slice %dma_start3A_30[%mul3A_27, %dma_start3A_31] : memref<10240x64xf32, #tpu.memory_space<hbm>> -> memref<640x64xf32, #tpu.memory_space<hbm>>
      %dma_start3A_33 = arith.constant 0 : i32
      %dma_start3A_34 = tpu.memref_slice %arg11[%mul3A_25, %dma_start3A_33] : memref<10240x64xf32, #tpu.memory_space<vmem_shared>> -> memref<640x64xf32, #tpu.memory_space<vmem_shared>>
      tpu.enqueue_dma source(%dma_start3A_34 : memref<640x64xf32, #tpu.memory_space<vmem_shared>>) target(%dma_start3A_32 : memref<640x64xf32, #tpu.memory_space<hbm>>) target_semaphore(%run_scoped3A : memref<!tpu.dma_semaphore, #tpu.memory_space<semaphore_mem>>)
      %dma_wait3A = arith.constant 0 : i32
      %dma_wait3A_35 = arith.constant 0 : i32
      %dma_wait3A_36 = tpu.memref_slice %arg5[%arg0, %dma_wait3A, %dma_wait3A_35] : memref<2x10240x64xf32, #tpu.memory_space<hbm>> -> memref<1x10240x64xf32, #tpu.memory_space<hbm>>
      %dma_wait3A_37 = tpu.memref_squeeze %dma_wait3A_36 : memref<1x10240x64xf32, #tpu.memory_space<hbm>> -> memref<10240x64xf32, #tpu.memory_space<hbm>>
      %dma_wait3A_38 = arith.constant 0 : i32
      %dma_wait3A_39 = tpu.memref_slice %dma_wait3A_37[%mul3A_27, %dma_wait3A_38] : memref<10240x64xf32, #tpu.memory_space<hbm>> -> memref<640x64xf32, #tpu.memory_space<hbm>>
      %dma_wait3A_40 = arith.constant 0 : i32
      %dma_wait3A_41 = tpu.memref_slice %arg11[%mul3A_25, %dma_wait3A_40] : memref<10240x64xf32, #tpu.memory_space<vmem_shared>> -> memref<640x64xf32, #tpu.memory_space<vmem_shared>>
      tpu.wait_dma2 semaphore(%run_scoped3A : memref<!tpu.dma_semaphore, #tpu.memory_space<semaphore_mem>>) src(%dma_wait3A_41 : memref<640x64xf32, #tpu.memory_space<vmem_shared>>) dst(%dma_wait3A_39 : memref<640x64xf32, #tpu.memory_space<hbm>>)
      tpu.yield
    }) : () -> ()
    return
  }
}

#map = affine_map<(d0, d1) -> (0, 0, 0)>
#map1 = affine_map<(d0, d1) -> (0, 0)>
module attributes {stable_mosaic.version = 14 : i64} {
  func.func @_sc_segsum(%arg0: i32, %arg1: i32, %arg2: memref<2x10240x64xf32, #tpu.memory_space<hbm>>, %arg3: memref<2560x128xi32, #tpu.memory_space<hbm>>, %arg4: memref<2560x128xi32, #tpu.memory_space<hbm>>, %arg5: memref<2x10240x64xf32, #tpu.memory_space<hbm>>, %arg6: memref<40x128xi32, #tpu.memory_space<vmem>>, %arg7: memref<40x128xi32, #tpu.memory_space<vmem>>, %arg8: memref<128x64xf32, #tpu.memory_space<vmem>>, %arg9: memref<128x64xf32, #tpu.memory_space<vmem>>, %arg10: memref<10240x64xf32, #tpu.memory_space<vmem_shared>>, %arg11: memref<10240x64xf32, #tpu.memory_space<vmem_shared>>, %arg12: memref<!tpu.dma_semaphore, #tpu.memory_space<semaphore_mem>>, %arg13: memref<!tpu.dma_semaphore, #tpu.memory_space<semaphore_mem>>, %arg14: memref<!tpu.dma_semaphore, #tpu.memory_space<semaphore_mem>>, %arg15: memref<!tpu.dma_semaphore, #tpu.memory_space<semaphore_mem>>) attributes {dimension_semantics = [#tpu.dimension_semantics<core_parallel>, #tpu.dimension_semantics<subcore_parallel>], iteration_bounds = array<i64: 2, 16>, scalar_prefetch = 0 : i64, scratch_operands = 10 : i64, tpu.core_type = #tpu.core_type<sc_vector_subcore>, window_params = [{transform_indices = #map}, {transform_indices = #map1}, {transform_indices = #map1}, {transform_indices = #map}]} {
    %broadcast_in_dim3A = arith.constant 0.000000e+00 : f32
    %broadcast_in_dim3A_0 = vector.broadcast %broadcast_in_dim3A : f32 to vector<16xf32>
    %scan3A = arith.constant 0 : i32
    %scan3A_1 = arith.constant 128 : i32
    %scan3A_2 = arith.addi %scan3A, %scan3A_1 : i32
    %scan3A_3 = arith.constant 1 : i32
    scf.for %scan3A_28 = %scan3A to %scan3A_2 step %scan3A_3  : i32 {
      %mul3A_29 = arith.constant 1 : i32
      %mul3A_30 = arith.muli %scan3A_28, %mul3A_29 : i32
      %add3A_31 = arith.constant 0 : i32
      %add3A_32 = arith.addi %add3A_31, %mul3A_30 : i32
      %swap3A = arith.index_cast %add3A_32 : i32 to index
      %swap3A_33 = arith.constant 0 : index
      %swap3A_34 = tpu.vector_load %arg8[%swap3A, %swap3A_33] {strides = array<i32>} : memref<128x64xf32, #tpu.memory_space<vmem>>, vector<1x16xf32>,
      %swap3A_35 = vector.shape_cast %swap3A_34 : vector<1x16xf32> to vector<16xf32>
      %swap3A_36 = vector.shape_cast %broadcast_in_dim3A_0 : vector<16xf32> to vector<1x16xf32>
      tpu.vector_store %arg8[%swap3A, %swap3A_33], %swap3A_36 {strides = array<i32>} : memref<128x64xf32, #tpu.memory_space<vmem>>, vector<1x16xf32>,
      %swap3A_37 = arith.index_cast %add3A_32 : i32 to index
      %swap3A_38 = arith.constant 16 : index
      %swap3A_39 = tpu.vector_load %arg8[%swap3A_37, %swap3A_38] {strides = array<i32>} : memref<128x64xf32, #tpu.memory_space<vmem>>, vector<1x16xf32>,
      %swap3A_40 = vector.shape_cast %swap3A_39 : vector<1x16xf32> to vector<16xf32>
      %swap3A_41 = vector.shape_cast %broadcast_in_dim3A_0 : vector<16xf32> to vector<1x16xf32>
      tpu.vector_store %arg8[%swap3A_37, %swap3A_38], %swap3A_41 {strides = array<i32>} : memref<128x64xf32, #tpu.memory_space<vmem>>, vector<1x16xf32>,
      %swap3A_42 = arith.index_cast %add3A_32 : i32 to index
      %swap3A_43 = arith.constant 32 : index
      %swap3A_44 = tpu.vector_load %arg8[%swap3A_42, %swap3A_43] {strides = array<i32>} : memref<128x64xf32, #tpu.memory_space<vmem>>, vector<1x16xf32>,
      %swap3A_45 = vector.shape_cast %swap3A_44 : vector<1x16xf32> to vector<16xf32>
      %swap3A_46 = vector.shape_cast %broadcast_in_dim3A_0 : vector<16xf32> to vector<1x16xf32>
      tpu.vector_store %arg8[%swap3A_42, %swap3A_43], %swap3A_46 {strides = array<i32>} : memref<128x64xf32, #tpu.memory_space<vmem>>, vector<1x16xf32>,
      %swap3A_47 = arith.index_cast %add3A_32 : i32 to index
      %swap3A_48 = arith.constant 48 : index
      %swap3A_49 = tpu.vector_load %arg8[%swap3A_47, %swap3A_48] {strides = array<i32>} : memref<128x64xf32, #tpu.memory_space<vmem>>, vector<1x16xf32>,
      %swap3A_50 = vector.shape_cast %swap3A_49 : vector<1x16xf32> to vector<16xf32>
      %swap3A_51 = vector.shape_cast %broadcast_in_dim3A_0 : vector<16xf32> to vector<1x16xf32>
      tpu.vector_store %arg8[%swap3A_47, %swap3A_48], %swap3A_51 {strides = array<i32>} : memref<128x64xf32, #tpu.memory_space<vmem>>, vector<1x16xf32>,
    }
    %scan3A_4 = arith.constant 128 : i32
    %mul3A = arith.constant 640 : i32
    %mul3A_5 = arith.muli %arg1, %mul3A : i32
    %add3A = arith.constant 0 : i32
    %add3A_6 = arith.addi %mul3A_5, %add3A : i32
    "tpu.region"() ({
      %run_scoped3A = tpu.sem_alloc : memref<!tpu.dma_semaphore, #tpu.memory_space<semaphore_mem>>
      %dma_start3A = arith.constant 0 : i32
      %dma_start3A_28 = arith.constant 0 : i32
      %dma_start3A_29 = tpu.memref_slice %arg8[%dma_start3A, %dma_start3A_28] : memref<128x64xf32, #tpu.memory_space<vmem>> -> memref<128x64xf32, #tpu.memory_space<vmem>>
      %dma_start3A_30 = arith.constant 0 : i32
      %dma_start3A_31 = tpu.memref_slice %arg11[%add3A_6, %dma_start3A_30] : memref<10240x64xf32, #tpu.memory_space<vmem_shared>> -> memref<128x64xf32, #tpu.memory_space<vmem_shared>>
      %dma_start3A_32 = arith.constant 0 : i32
      %dma_start3A_33 = tpu.memref_slice %arg11[%add3A_6, %dma_start3A_32] : memref<10240x64xf32, #tpu.memory_space<vmem_shared>> -> memref<128x64xf32, #tpu.memory_space<vmem_shared>>
      %dma_start3A_34 = arith.constant 0 : i32
      %dma_start3A_35 = arith.constant 0 : i32
      %dma_start3A_36 = tpu.memref_slice %arg8[%dma_start3A_34, %dma_start3A_35] : memref<128x64xf32, #tpu.memory_space<vmem>> -> memref<128x64xf32, #tpu.memory_space<vmem>>
      tpu.enqueue_dma source(%dma_start3A_36 : memref<128x64xf32, #tpu.memory_space<vmem>>) target(%dma_start3A_33 : memref<128x64xf32, #tpu.memory_space<vmem_shared>>) target_semaphore(%run_scoped3A : memref<!tpu.dma_semaphore, #tpu.memory_space<semaphore_mem>>)
      %dma_wait3A = arith.constant 0 : i32
      %dma_wait3A_37 = arith.constant 0 : i32
      %dma_wait3A_38 = tpu.memref_slice %arg8[%dma_wait3A, %dma_wait3A_37] : memref<128x64xf32, #tpu.memory_space<vmem>> -> memref<128x64xf32, #tpu.memory_space<vmem>>
      %dma_wait3A_39 = arith.constant 0 : i32
      %dma_wait3A_40 = tpu.memref_slice %arg11[%add3A_6, %dma_wait3A_39] : memref<10240x64xf32, #tpu.memory_space<vmem_shared>> -> memref<128x64xf32, #tpu.memory_space<vmem_shared>>
      %dma_wait3A_41 = arith.constant 0 : i32
      %dma_wait3A_42 = tpu.memref_slice %arg11[%add3A_6, %dma_wait3A_41] : memref<10240x64xf32, #tpu.memory_space<vmem_shared>> -> memref<128x64xf32, #tpu.memory_space<vmem_shared>>
      %dma_wait3A_43 = arith.constant 0 : i32
      %dma_wait3A_44 = arith.constant 0 : i32
      %dma_wait3A_45 = tpu.memref_slice %arg8[%dma_wait3A_43, %dma_wait3A_44] : memref<128x64xf32, #tpu.memory_space<vmem>> -> memref<128x64xf32, #tpu.memory_space<vmem>>
      tpu.wait_dma2 semaphore(%run_scoped3A : memref<!tpu.dma_semaphore, #tpu.memory_space<semaphore_mem>>) src(%dma_wait3A_45 : memref<128x64xf32, #tpu.memory_space<vmem>>) dst(%dma_wait3A_42 : memref<128x64xf32, #tpu.memory_space<vmem_shared>>)
      tpu.yield
    }) : () -> ()
    %mul3A_7 = arith.constant 640 : i32
    %mul3A_8 = arith.muli %arg1, %mul3A_7 : i32
    %add3A_9 = arith.constant 128 : i32
    %add3A_10 = arith.addi %mul3A_8, %add3A_9 : i32
    "tpu.region"() ({
      %run_scoped3A = tpu.sem_alloc : memref<!tpu.dma_semaphore, #tpu.memory_space<semaphore_mem>>
      %dma_start3A = arith.constant 0 : i32
      %dma_start3A_28 = arith.constant 0 : i32
      %dma_start3A_29 = tpu.memref_slice %arg8[%dma_start3A, %dma_start3A_28] : memref<128x64xf32, #tpu.memory_space<vmem>> -> memref<128x64xf32, #tpu.memory_space<vmem>>
      %dma_start3A_30 = arith.constant 0 : i32
      %dma_start3A_31 = tpu.memref_slice %arg11[%add3A_10, %dma_start3A_30] : memref<10240x64xf32, #tpu.memory_space<vmem_shared>> -> memref<128x64xf32, #tpu.memory_space<vmem_shared>>
      %dma_start3A_32 = arith.constant 0 : i32
      %dma_start3A_33 = tpu.memref_slice %arg11[%add3A_10, %dma_start3A_32] : memref<10240x64xf32, #tpu.memory_space<vmem_shared>> -> memref<128x64xf32, #tpu.memory_space<vmem_shared>>
      %dma_start3A_34 = arith.constant 0 : i32
      %dma_start3A_35 = arith.constant 0 : i32
      %dma_start3A_36 = tpu.memref_slice %arg8[%dma_start3A_34, %dma_start3A_35] : memref<128x64xf32, #tpu.memory_space<vmem>> -> memref<128x64xf32, #tpu.memory_space<vmem>>
      tpu.enqueue_dma source(%dma_start3A_36 : memref<128x64xf32, #tpu.memory_space<vmem>>) target(%dma_start3A_33 : memref<128x64xf32, #tpu.memory_space<vmem_shared>>) target_semaphore(%run_scoped3A : memref<!tpu.dma_semaphore, #tpu.memory_space<semaphore_mem>>)
      %dma_wait3A = arith.constant 0 : i32
      %dma_wait3A_37 = arith.constant 0 : i32
      %dma_wait3A_38 = tpu.memref_slice %arg8[%dma_wait3A, %dma_wait3A_37] : memref<128x64xf32, #tpu.memory_space<vmem>> -> memref<128x64xf32, #tpu.memory_space<vmem>>
      %dma_wait3A_39 = arith.constant 0 : i32
      %dma_wait3A_40 = tpu.memref_slice %arg11[%add3A_10, %dma_wait3A_39] : memref<10240x64xf32, #tpu.memory_space<vmem_shared>> -> memref<128x64xf32, #tpu.memory_space<vmem_shared>>
      %dma_wait3A_41 = arith.constant 0 : i32
      %dma_wait3A_42 = tpu.memref_slice %arg11[%add3A_10, %dma_wait3A_41] : memref<10240x64xf32, #tpu.memory_space<vmem_shared>> -> memref<128x64xf32, #tpu.memory_space<vmem_shared>>
      %dma_wait3A_43 = arith.constant 0 : i32
      %dma_wait3A_44 = arith.constant 0 : i32
      %dma_wait3A_45 = tpu.memref_slice %arg8[%dma_wait3A_43, %dma_wait3A_44] : memref<128x64xf32, #tpu.memory_space<vmem>> -> memref<128x64xf32, #tpu.memory_space<vmem>>
      tpu.wait_dma2 semaphore(%run_scoped3A : memref<!tpu.dma_semaphore, #tpu.memory_space<semaphore_mem>>) src(%dma_wait3A_45 : memref<128x64xf32, #tpu.memory_space<vmem>>) dst(%dma_wait3A_42 : memref<128x64xf32, #tpu.memory_space<vmem_shared>>)
      tpu.yield
    }) : () -> ()
    %mul3A_11 = arith.constant 640 : i32
    %mul3A_12 = arith.muli %arg1, %mul3A_11 : i32
    %add3A_13 = arith.constant 256 : i32
    %add3A_14 = arith.addi %mul3A_12, %add3A_13 : i32
    "tpu.region"() ({
      %run_scoped3A = tpu.sem_alloc : memref<!tpu.dma_semaphore, #tpu.memory_space<semaphore_mem>>
      %dma_start3A = arith.constant 0 : i32
      %dma_start3A_28 = arith.constant 0 : i32
      %dma_start3A_29 = tpu.memref_slice %arg8[%dma_start3A, %dma_start3A_28] : memref<128x64xf32, #tpu.memory_space<vmem>> -> memref<128x64xf32, #tpu.memory_space<vmem>>
      %dma_start3A_30 = arith.constant 0 : i32
      %dma_start3A_31 = tpu.memref_slice %arg11[%add3A_14, %dma_start3A_30] : memref<10240x64xf32, #tpu.memory_space<vmem_shared>> -> memref<128x64xf32, #tpu.memory_space<vmem_shared>>
      %dma_start3A_32 = arith.constant 0 : i32
      %dma_start3A_33 = tpu.memref_slice %arg11[%add3A_14, %dma_start3A_32] : memref<10240x64xf32, #tpu.memory_space<vmem_shared>> -> memref<128x64xf32, #tpu.memory_space<vmem_shared>>
      %dma_start3A_34 = arith.constant 0 : i32
      %dma_start3A_35 = arith.constant 0 : i32
      %dma_start3A_36 = tpu.memref_slice %arg8[%dma_start3A_34, %dma_start3A_35] : memref<128x64xf32, #tpu.memory_space<vmem>> -> memref<128x64xf32, #tpu.memory_space<vmem>>
      tpu.enqueue_dma source(%dma_start3A_36 : memref<128x64xf32, #tpu.memory_space<vmem>>) target(%dma_start3A_33 : memref<128x64xf32, #tpu.memory_space<vmem_shared>>) target_semaphore(%run_scoped3A : memref<!tpu.dma_semaphore, #tpu.memory_space<semaphore_mem>>)
      %dma_wait3A = arith.constant 0 : i32
      %dma_wait3A_37 = arith.constant 0 : i32
      %dma_wait3A_38 = tpu.memref_slice %arg8[%dma_wait3A, %dma_wait3A_37] : memref<128x64xf32, #tpu.memory_space<vmem>> -> memref<128x64xf32, #tpu.memory_space<vmem>>
      %dma_wait3A_39 = arith.constant 0 : i32
      %dma_wait3A_40 = tpu.memref_slice %arg11[%add3A_14, %dma_wait3A_39] : memref<10240x64xf32, #tpu.memory_space<vmem_shared>> -> memref<128x64xf32, #tpu.memory_space<vmem_shared>>
      %dma_wait3A_41 = arith.constant 0 : i32
      %dma_wait3A_42 = tpu.memref_slice %arg11[%add3A_14, %dma_wait3A_41] : memref<10240x64xf32, #tpu.memory_space<vmem_shared>> -> memref<128x64xf32, #tpu.memory_space<vmem_shared>>
      %dma_wait3A_43 = arith.constant 0 : i32
      %dma_wait3A_44 = arith.constant 0 : i32
      %dma_wait3A_45 = tpu.memref_slice %arg8[%dma_wait3A_43, %dma_wait3A_44] : memref<128x64xf32, #tpu.memory_space<vmem>> -> memref<128x64xf32, #tpu.memory_space<vmem>>
      tpu.wait_dma2 semaphore(%run_scoped3A : memref<!tpu.dma_semaphore, #tpu.memory_space<semaphore_mem>>) src(%dma_wait3A_45 : memref<128x64xf32, #tpu.memory_space<vmem>>) dst(%dma_wait3A_42 : memref<128x64xf32, #tpu.memory_space<vmem_shared>>)
      tpu.yield
    }) : () -> ()
    %mul3A_15 = arith.constant 640 : i32
    %mul3A_16 = arith.muli %arg1, %mul3A_15 : i32
    %add3A_17 = arith.constant 384 : i32
    %add3A_18 = arith.addi %mul3A_16, %add3A_17 : i32
    "tpu.region"() ({
      %run_scoped3A = tpu.sem_alloc : memref<!tpu.dma_semaphore, #tpu.memory_space<semaphore_mem>>
      %dma_start3A = arith.constant 0 : i32
      %dma_start3A_28 = arith.constant 0 : i32
      %dma_start3A_29 = tpu.memref_slice %arg8[%dma_start3A, %dma_start3A_28] : memref<128x64xf32, #tpu.memory_space<vmem>> -> memref<128x64xf32, #tpu.memory_space<vmem>>
      %dma_start3A_30 = arith.constant 0 : i32
      %dma_start3A_31 = tpu.memref_slice %arg11[%add3A_18, %dma_start3A_30] : memref<10240x64xf32, #tpu.memory_space<vmem_shared>> -> memref<128x64xf32, #tpu.memory_space<vmem_shared>>
      %dma_start3A_32 = arith.constant 0 : i32
      %dma_start3A_33 = tpu.memref_slice %arg11[%add3A_18, %dma_start3A_32] : memref<10240x64xf32, #tpu.memory_space<vmem_shared>> -> memref<128x64xf32, #tpu.memory_space<vmem_shared>>
      %dma_start3A_34 = arith.constant 0 : i32
      %dma_start3A_35 = arith.constant 0 : i32
      %dma_start3A_36 = tpu.memref_slice %arg8[%dma_start3A_34, %dma_start3A_35] : memref<128x64xf32, #tpu.memory_space<vmem>> -> memref<128x64xf32, #tpu.memory_space<vmem>>
      tpu.enqueue_dma source(%dma_start3A_36 : memref<128x64xf32, #tpu.memory_space<vmem>>) target(%dma_start3A_33 : memref<128x64xf32, #tpu.memory_space<vmem_shared>>) target_semaphore(%run_scoped3A : memref<!tpu.dma_semaphore, #tpu.memory_space<semaphore_mem>>)
      %dma_wait3A = arith.constant 0 : i32
      %dma_wait3A_37 = arith.constant 0 : i32
      %dma_wait3A_38 = tpu.memref_slice %arg8[%dma_wait3A, %dma_wait3A_37] : memref<128x64xf32, #tpu.memory_space<vmem>> -> memref<128x64xf32, #tpu.memory_space<vmem>>
      %dma_wait3A_39 = arith.constant 0 : i32
      %dma_wait3A_40 = tpu.memref_slice %arg11[%add3A_18, %dma_wait3A_39] : memref<10240x64xf32, #tpu.memory_space<vmem_shared>> -> memref<128x64xf32, #tpu.memory_space<vmem_shared>>
      %dma_wait3A_41 = arith.constant 0 : i32
      %dma_wait3A_42 = tpu.memref_slice %arg11[%add3A_18, %dma_wait3A_41] : memref<10240x64xf32, #tpu.memory_space<vmem_shared>> -> memref<128x64xf32, #tpu.memory_space<vmem_shared>>
      %dma_wait3A_43 = arith.constant 0 : i32
      %dma_wait3A_44 = arith.constant 0 : i32
      %dma_wait3A_45 = tpu.memref_slice %arg8[%dma_wait3A_43, %dma_wait3A_44] : memref<128x64xf32, #tpu.memory_space<vmem>> -> memref<128x64xf32, #tpu.memory_space<vmem>>
      tpu.wait_dma2 semaphore(%run_scoped3A : memref<!tpu.dma_semaphore, #tpu.memory_space<semaphore_mem>>) src(%dma_wait3A_45 : memref<128x64xf32, #tpu.memory_space<vmem>>) dst(%dma_wait3A_42 : memref<128x64xf32, #tpu.memory_space<vmem_shared>>)
      tpu.yield
    }) : () -> ()
    %mul3A_19 = arith.constant 640 : i32
    %mul3A_20 = arith.muli %arg1, %mul3A_19 : i32
    %add3A_21 = arith.constant 512 : i32
    %add3A_22 = arith.addi %mul3A_20, %add3A_21 : i32
    "tpu.region"() ({
      %run_scoped3A = tpu.sem_alloc : memref<!tpu.dma_semaphore, #tpu.memory_space<semaphore_mem>>
      %dma_start3A = arith.constant 0 : i32
      %dma_start3A_28 = arith.constant 0 : i32
      %dma_start3A_29 = tpu.memref_slice %arg8[%dma_start3A, %dma_start3A_28] : memref<128x64xf32, #tpu.memory_space<vmem>> -> memref<128x64xf32, #tpu.memory_space<vmem>>
      %dma_start3A_30 = arith.constant 0 : i32
      %dma_start3A_31 = tpu.memref_slice %arg11[%add3A_22, %dma_start3A_30] : memref<10240x64xf32, #tpu.memory_space<vmem_shared>> -> memref<128x64xf32, #tpu.memory_space<vmem_shared>>
      %dma_start3A_32 = arith.constant 0 : i32
      %dma_start3A_33 = tpu.memref_slice %arg11[%add3A_22, %dma_start3A_32] : memref<10240x64xf32, #tpu.memory_space<vmem_shared>> -> memref<128x64xf32, #tpu.memory_space<vmem_shared>>
      %dma_start3A_34 = arith.constant 0 : i32
      %dma_start3A_35 = arith.constant 0 : i32
      %dma_start3A_36 = tpu.memref_slice %arg8[%dma_start3A_34, %dma_start3A_35] : memref<128x64xf32, #tpu.memory_space<vmem>> -> memref<128x64xf32, #tpu.memory_space<vmem>>
      tpu.enqueue_dma source(%dma_start3A_36 : memref<128x64xf32, #tpu.memory_space<vmem>>) target(%dma_start3A_33 : memref<128x64xf32, #tpu.memory_space<vmem_shared>>) target_semaphore(%run_scoped3A : memref<!tpu.dma_semaphore, #tpu.memory_space<semaphore_mem>>)
      %dma_wait3A = arith.constant 0 : i32
      %dma_wait3A_37 = arith.constant 0 : i32
      %dma_wait3A_38 = tpu.memref_slice %arg8[%dma_wait3A, %dma_wait3A_37] : memref<128x64xf32, #tpu.memory_space<vmem>> -> memref<128x64xf32, #tpu.memory_space<vmem>>
      %dma_wait3A_39 = arith.constant 0 : i32
      %dma_wait3A_40 = tpu.memref_slice %arg11[%add3A_22, %dma_wait3A_39] : memref<10240x64xf32, #tpu.memory_space<vmem_shared>> -> memref<128x64xf32, #tpu.memory_space<vmem_shared>>
      %dma_wait3A_41 = arith.constant 0 : i32
      %dma_wait3A_42 = tpu.memref_slice %arg11[%add3A_22, %dma_wait3A_41] : memref<10240x64xf32, #tpu.memory_space<vmem_shared>> -> memref<128x64xf32, #tpu.memory_space<vmem_shared>>
      %dma_wait3A_43 = arith.constant 0 : i32
      %dma_wait3A_44 = arith.constant 0 : i32
      %dma_wait3A_45 = tpu.memref_slice %arg8[%dma_wait3A_43, %dma_wait3A_44] : memref<128x64xf32, #tpu.memory_space<vmem>> -> memref<128x64xf32, #tpu.memory_space<vmem>>
      tpu.wait_dma2 semaphore(%run_scoped3A : memref<!tpu.dma_semaphore, #tpu.memory_space<semaphore_mem>>) src(%dma_wait3A_45 : memref<128x64xf32, #tpu.memory_space<vmem>>) dst(%dma_wait3A_42 : memref<128x64xf32, #tpu.memory_space<vmem_shared>>)
      tpu.yield
    }) : () -> ()
    %barrier3A = arith.constant 0 : index
    tpu.barrier barrier_id(%barrier3A)
    %barrier3A_23 = arith.constant 0 : index
    tpu.barrier barrier_id(%barrier3A_23)
    %mul3A_24 = arith.constant 640 : i32
    %mul3A_25 = arith.muli %arg1, %mul3A_24 : i32
    %mul3A_26 = arith.constant 640 : i32
    %mul3A_27 = arith.muli %arg1, %mul3A_26 : i32
    "tpu.region"() ({
      %run_scoped3A = tpu.sem_alloc : memref<!tpu.dma_semaphore, #tpu.memory_space<semaphore_mem>>
      %dma_start3A = arith.constant 0 : i32
      %dma_start3A_28 = arith.constant 0 : i32
      %dma_start3A_29 = tpu.memref_slice %arg5[%arg0, %dma_start3A, %dma_start3A_28] : memref<2x10240x64xf32, #tpu.memory_space<hbm>> -> memref<1x10240x64xf32, #tpu.memory_space<hbm>>
      %dma_start3A_30 = tpu.memref_squeeze %dma_start3A_29 : memref<1x10240x64xf32, #tpu.memory_space<hbm>> -> memref<10240x64xf32, #tpu.memory_space<hbm>>
      %dma_start3A_31 = arith.constant 0 : i32
      %dma_start3A_32 = tpu.memref_slice %dma_start3A_30[%mul3A_27, %dma_start3A_31] : memref<10240x64xf32, #tpu.memory_space<hbm>> -> memref<640x64xf32, #tpu.memory_space<hbm>>
      %dma_start3A_33 = arith.constant 0 : i32
      %dma_start3A_34 = tpu.memref_slice %arg11[%mul3A_25, %dma_start3A_33] : memref<10240x64xf32, #tpu.memory_space<vmem_shared>> -> memref<640x64xf32, #tpu.memory_space<vmem_shared>>
      tpu.enqueue_dma source(%dma_start3A_34 : memref<640x64xf32, #tpu.memory_space<vmem_shared>>) target(%dma_start3A_32 : memref<640x64xf32, #tpu.memory_space<hbm>>) target_semaphore(%run_scoped3A : memref<!tpu.dma_semaphore, #tpu.memory_space<semaphore_mem>>)
      %dma_wait3A = arith.constant 0 : i32
      %dma_wait3A_35 = arith.constant 0 : i32
      %dma_wait3A_36 = tpu.memref_slice %arg5[%arg0, %dma_wait3A, %dma_wait3A_35] : memref<2x10240x64xf32, #tpu.memory_space<hbm>> -> memref<1x10240x64xf32, #tpu.memory_space<hbm>>
      %dma_wait3A_37 = tpu.memref_squeeze %dma_wait3A_36 : memref<1x10240x64xf32, #tpu.memory_space<hbm>> -> memref<10240x64xf32, #tpu.memory_space<hbm>>
      %dma_wait3A_38 = arith.constant 0 : i32
      %dma_wait3A_39 = tpu.memref_slice %dma_wait3A_37[%mul3A_27, %dma_wait3A_38] : memref<10240x64xf32, #tpu.memory_space<hbm>> -> memref<640x64xf32, #tpu.memory_space<hbm>>
      %dma_wait3A_40 = arith.constant 0 : i32
      %dma_wait3A_41 = tpu.memref_slice %arg11[%mul3A_25, %dma_wait3A_40] : memref<10240x64xf32, #tpu.memory_space<vmem_shared>> -> memref<640x64xf32, #tpu.memory_space<vmem_shared>>
      tpu.wait_dma2 semaphore(%run_scoped3A : memref<!tpu.dma_semaphore, #tpu.memory_space<semaphore_mem>>) src(%dma_wait3A_41 : memref<640x64xf32, #tpu.memory_space<vmem_shared>>) dst(%dma_wait3A_39 : memref<640x64xf32, #tpu.memory_space<hbm>>)
      tpu.yield
    }) : () -> ()
    return
  }
}

#map = affine_map<(d0, d1) -> (0, 0, 0)>
#map1 = affine_map<(d0, d1) -> (0, 0)>
module attributes {stable_mosaic.version = 14 : i64} {
  func.func @_sc_segsum(%arg0: i32, %arg1: i32, %arg2: memref<2x10240x64xf32, #tpu.memory_space<hbm>>, %arg3: memref<2560x128xi32, #tpu.memory_space<hbm>>, %arg4: memref<2560x128xi32, #tpu.memory_space<hbm>>, %arg5: memref<2x10240x64xf32, #tpu.memory_space<hbm>>, %arg6: memref<40x128xi32, #tpu.memory_space<vmem>>, %arg7: memref<40x128xi32, #tpu.memory_space<vmem>>, %arg8: memref<128x64xf32, #tpu.memory_space<vmem>>, %arg9: memref<128x64xf32, #tpu.memory_space<vmem>>, %arg10: memref<10240x64xf32, #tpu.memory_space<vmem_shared>>, %arg11: memref<10240x64xf32, #tpu.memory_space<vmem_shared>>, %arg12: memref<!tpu.dma_semaphore, #tpu.memory_space<semaphore_mem>>, %arg13: memref<!tpu.dma_semaphore, #tpu.memory_space<semaphore_mem>>, %arg14: memref<!tpu.dma_semaphore, #tpu.memory_space<semaphore_mem>>, %arg15: memref<!tpu.dma_semaphore, #tpu.memory_space<semaphore_mem>>) attributes {dimension_semantics = [#tpu.dimension_semantics<core_parallel>, #tpu.dimension_semantics<subcore_parallel>], iteration_bounds = array<i64: 2, 16>, scalar_prefetch = 0 : i64, scratch_operands = 10 : i64, tpu.core_type = #tpu.core_type<sc_vector_subcore>, window_params = [{transform_indices = #map}, {transform_indices = #map1}, {transform_indices = #map1}, {transform_indices = #map}]} {
    %broadcast_in_dim3A = arith.constant 0.000000e+00 : f32
    %broadcast_in_dim3A_0 = vector.broadcast %broadcast_in_dim3A : f32 to vector<16xf32>
    %scan3A = arith.constant 0 : i32
    %scan3A_1 = arith.constant 128 : i32
    %scan3A_2 = arith.addi %scan3A, %scan3A_1 : i32
    %scan3A_3 = arith.constant 1 : i32
    scf.for %scan3A_28 = %scan3A to %scan3A_2 step %scan3A_3  : i32 {
      %mul3A_29 = arith.constant 1 : i32
      %mul3A_30 = arith.muli %scan3A_28, %mul3A_29 : i32
      %add3A_31 = arith.constant 0 : i32
      %add3A_32 = arith.addi %add3A_31, %mul3A_30 : i32
      %swap3A = arith.index_cast %add3A_32 : i32 to index
      %swap3A_33 = arith.constant 0 : index
      %swap3A_34 = tpu.vector_load %arg8[%swap3A, %swap3A_33] {strides = array<i32>} : memref<128x64xf32, #tpu.memory_space<vmem>>, vector<1x16xf32>,
      %swap3A_35 = vector.shape_cast %swap3A_34 : vector<1x16xf32> to vector<16xf32>
      %swap3A_36 = vector.shape_cast %broadcast_in_dim3A_0 : vector<16xf32> to vector<1x16xf32>
      tpu.vector_store %arg8[%swap3A, %swap3A_33], %swap3A_36 {strides = array<i32>} : memref<128x64xf32, #tpu.memory_space<vmem>>, vector<1x16xf32>,
      %swap3A_37 = arith.index_cast %add3A_32 : i32 to index
      %swap3A_38 = arith.constant 16 : index
      %swap3A_39 = tpu.vector_load %arg8[%swap3A_37, %swap3A_38] {strides = array<i32>} : memref<128x64xf32, #tpu.memory_space<vmem>>, vector<1x16xf32>,
      %swap3A_40 = vector.shape_cast %swap3A_39 : vector<1x16xf32> to vector<16xf32>
      %swap3A_41 = vector.shape_cast %broadcast_in_dim3A_0 : vector<16xf32> to vector<1x16xf32>
      tpu.vector_store %arg8[%swap3A_37, %swap3A_38], %swap3A_41 {strides = array<i32>} : memref<128x64xf32, #tpu.memory_space<vmem>>, vector<1x16xf32>,
      %swap3A_42 = arith.index_cast %add3A_32 : i32 to index
      %swap3A_43 = arith.constant 32 : index
      %swap3A_44 = tpu.vector_load %arg8[%swap3A_42, %swap3A_43] {strides = array<i32>} : memref<128x64xf32, #tpu.memory_space<vmem>>, vector<1x16xf32>,
      %swap3A_45 = vector.shape_cast %swap3A_44 : vector<1x16xf32> to vector<16xf32>
      %swap3A_46 = vector.shape_cast %broadcast_in_dim3A_0 : vector<16xf32> to vector<1x16xf32>
      tpu.vector_store %arg8[%swap3A_42, %swap3A_43], %swap3A_46 {strides = array<i32>} : memref<128x64xf32, #tpu.memory_space<vmem>>, vector<1x16xf32>,
      %swap3A_47 = arith.index_cast %add3A_32 : i32 to index
      %swap3A_48 = arith.constant 48 : index
      %swap3A_49 = tpu.vector_load %arg8[%swap3A_47, %swap3A_48] {strides = array<i32>} : memref<128x64xf32, #tpu.memory_space<vmem>>, vector<1x16xf32>,
      %swap3A_50 = vector.shape_cast %swap3A_49 : vector<1x16xf32> to vector<16xf32>
      %swap3A_51 = vector.shape_cast %broadcast_in_dim3A_0 : vector<16xf32> to vector<1x16xf32>
      tpu.vector_store %arg8[%swap3A_47, %swap3A_48], %swap3A_51 {strides = array<i32>} : memref<128x64xf32, #tpu.memory_space<vmem>>, vector<1x16xf32>,
    }
    %scan3A_4 = arith.constant 128 : i32
    %mul3A = arith.constant 640 : i32
    %mul3A_5 = arith.muli %arg1, %mul3A : i32
    %add3A = arith.constant 0 : i32
    %add3A_6 = arith.addi %mul3A_5, %add3A : i32
    "tpu.region"() ({
      %run_scoped3A = tpu.sem_alloc : memref<!tpu.dma_semaphore, #tpu.memory_space<semaphore_mem>>
      %dma_start3A = arith.constant 0 : i32
      %dma_start3A_28 = arith.constant 0 : i32
      %dma_start3A_29 = tpu.memref_slice %arg8[%dma_start3A, %dma_start3A_28] : memref<128x64xf32, #tpu.memory_space<vmem>> -> memref<128x64xf32, #tpu.memory_space<vmem>>
      %dma_start3A_30 = arith.constant 0 : i32
      %dma_start3A_31 = tpu.memref_slice %arg11[%add3A_6, %dma_start3A_30] : memref<10240x64xf32, #tpu.memory_space<vmem_shared>> -> memref<128x64xf32, #tpu.memory_space<vmem_shared>>
      %dma_start3A_32 = arith.constant 0 : i32
      %dma_start3A_33 = tpu.memref_slice %arg11[%add3A_6, %dma_start3A_32] : memref<10240x64xf32, #tpu.memory_space<vmem_shared>> -> memref<128x64xf32, #tpu.memory_space<vmem_shared>>
      %dma_start3A_34 = arith.constant 0 : i32
      %dma_start3A_35 = arith.constant 0 : i32
      %dma_start3A_36 = tpu.memref_slice %arg8[%dma_start3A_34, %dma_start3A_35] : memref<128x64xf32, #tpu.memory_space<vmem>> -> memref<128x64xf32, #tpu.memory_space<vmem>>
      tpu.enqueue_dma source(%dma_start3A_36 : memref<128x64xf32, #tpu.memory_space<vmem>>) target(%dma_start3A_33 : memref<128x64xf32, #tpu.memory_space<vmem_shared>>) target_semaphore(%run_scoped3A : memref<!tpu.dma_semaphore, #tpu.memory_space<semaphore_mem>>)
      %dma_wait3A = arith.constant 0 : i32
      %dma_wait3A_37 = arith.constant 0 : i32
      %dma_wait3A_38 = tpu.memref_slice %arg8[%dma_wait3A, %dma_wait3A_37] : memref<128x64xf32, #tpu.memory_space<vmem>> -> memref<128x64xf32, #tpu.memory_space<vmem>>
      %dma_wait3A_39 = arith.constant 0 : i32
      %dma_wait3A_40 = tpu.memref_slice %arg11[%add3A_6, %dma_wait3A_39] : memref<10240x64xf32, #tpu.memory_space<vmem_shared>> -> memref<128x64xf32, #tpu.memory_space<vmem_shared>>
      %dma_wait3A_41 = arith.constant 0 : i32
      %dma_wait3A_42 = tpu.memref_slice %arg11[%add3A_6, %dma_wait3A_41] : memref<10240x64xf32, #tpu.memory_space<vmem_shared>> -> memref<128x64xf32, #tpu.memory_space<vmem_shared>>
      %dma_wait3A_43 = arith.constant 0 : i32
      %dma_wait3A_44 = arith.constant 0 : i32
      %dma_wait3A_45 = tpu.memref_slice %arg8[%dma_wait3A_43, %dma_wait3A_44] : memref<128x64xf32, #tpu.memory_space<vmem>> -> memref<128x64xf32, #tpu.memory_space<vmem>>
      tpu.wait_dma2 semaphore(%run_scoped3A : memref<!tpu.dma_semaphore, #tpu.memory_space<semaphore_mem>>) src(%dma_wait3A_45 : memref<128x64xf32, #tpu.memory_space<vmem>>) dst(%dma_wait3A_42 : memref<128x64xf32, #tpu.memory_space<vmem_shared>>)
      tpu.yield
    }) : () -> ()
    %mul3A_7 = arith.constant 640 : i32
    %mul3A_8 = arith.muli %arg1, %mul3A_7 : i32
    %add3A_9 = arith.constant 128 : i32
    %add3A_10 = arith.addi %mul3A_8, %add3A_9 : i32
    "tpu.region"() ({
      %run_scoped3A = tpu.sem_alloc : memref<!tpu.dma_semaphore, #tpu.memory_space<semaphore_mem>>
      %dma_start3A = arith.constant 0 : i32
      %dma_start3A_28 = arith.constant 0 : i32
      %dma_start3A_29 = tpu.memref_slice %arg8[%dma_start3A, %dma_start3A_28] : memref<128x64xf32, #tpu.memory_space<vmem>> -> memref<128x64xf32, #tpu.memory_space<vmem>>
      %dma_start3A_30 = arith.constant 0 : i32
      %dma_start3A_31 = tpu.memref_slice %arg11[%add3A_10, %dma_start3A_30] : memref<10240x64xf32, #tpu.memory_space<vmem_shared>> -> memref<128x64xf32, #tpu.memory_space<vmem_shared>>
      %dma_start3A_32 = arith.constant 0 : i32
      %dma_start3A_33 = tpu.memref_slice %arg11[%add3A_10, %dma_start3A_32] : memref<10240x64xf32, #tpu.memory_space<vmem_shared>> -> memref<128x64xf32, #tpu.memory_space<vmem_shared>>
      %dma_start3A_34 = arith.constant 0 : i32
      %dma_start3A_35 = arith.constant 0 : i32
      %dma_start3A_36 = tpu.memref_slice %arg8[%dma_start3A_34, %dma_start3A_35] : memref<128x64xf32, #tpu.memory_space<vmem>> -> memref<128x64xf32, #tpu.memory_space<vmem>>
      tpu.enqueue_dma source(%dma_start3A_36 : memref<128x64xf32, #tpu.memory_space<vmem>>) target(%dma_start3A_33 : memref<128x64xf32, #tpu.memory_space<vmem_shared>>) target_semaphore(%run_scoped3A : memref<!tpu.dma_semaphore, #tpu.memory_space<semaphore_mem>>)
      %dma_wait3A = arith.constant 0 : i32
      %dma_wait3A_37 = arith.constant 0 : i32
      %dma_wait3A_38 = tpu.memref_slice %arg8[%dma_wait3A, %dma_wait3A_37] : memref<128x64xf32, #tpu.memory_space<vmem>> -> memref<128x64xf32, #tpu.memory_space<vmem>>
      %dma_wait3A_39 = arith.constant 0 : i32
      %dma_wait3A_40 = tpu.memref_slice %arg11[%add3A_10, %dma_wait3A_39] : memref<10240x64xf32, #tpu.memory_space<vmem_shared>> -> memref<128x64xf32, #tpu.memory_space<vmem_shared>>
      %dma_wait3A_41 = arith.constant 0 : i32
      %dma_wait3A_42 = tpu.memref_slice %arg11[%add3A_10, %dma_wait3A_41] : memref<10240x64xf32, #tpu.memory_space<vmem_shared>> -> memref<128x64xf32, #tpu.memory_space<vmem_shared>>
      %dma_wait3A_43 = arith.constant 0 : i32
      %dma_wait3A_44 = arith.constant 0 : i32
      %dma_wait3A_45 = tpu.memref_slice %arg8[%dma_wait3A_43, %dma_wait3A_44] : memref<128x64xf32, #tpu.memory_space<vmem>> -> memref<128x64xf32, #tpu.memory_space<vmem>>
      tpu.wait_dma2 semaphore(%run_scoped3A : memref<!tpu.dma_semaphore, #tpu.memory_space<semaphore_mem>>) src(%dma_wait3A_45 : memref<128x64xf32, #tpu.memory_space<vmem>>) dst(%dma_wait3A_42 : memref<128x64xf32, #tpu.memory_space<vmem_shared>>)
      tpu.yield
    }) : () -> ()
    %mul3A_11 = arith.constant 640 : i32
    %mul3A_12 = arith.muli %arg1, %mul3A_11 : i32
    %add3A_13 = arith.constant 256 : i32
    %add3A_14 = arith.addi %mul3A_12, %add3A_13 : i32
    "tpu.region"() ({
      %run_scoped3A = tpu.sem_alloc : memref<!tpu.dma_semaphore, #tpu.memory_space<semaphore_mem>>
      %dma_start3A = arith.constant 0 : i32
      %dma_start3A_28 = arith.constant 0 : i32
      %dma_start3A_29 = tpu.memref_slice %arg8[%dma_start3A, %dma_start3A_28] : memref<128x64xf32, #tpu.memory_space<vmem>> -> memref<128x64xf32, #tpu.memory_space<vmem>>
      %dma_start3A_30 = arith.constant 0 : i32
      %dma_start3A_31 = tpu.memref_slice %arg11[%add3A_14, %dma_start3A_30] : memref<10240x64xf32, #tpu.memory_space<vmem_shared>> -> memref<128x64xf32, #tpu.memory_space<vmem_shared>>
      %dma_start3A_32 = arith.constant 0 : i32
      %dma_start3A_33 = tpu.memref_slice %arg11[%add3A_14, %dma_start3A_32] : memref<10240x64xf32, #tpu.memory_space<vmem_shared>> -> memref<128x64xf32, #tpu.memory_space<vmem_shared>>
      %dma_start3A_34 = arith.constant 0 : i32
      %dma_start3A_35 = arith.constant 0 : i32
      %dma_start3A_36 = tpu.memref_slice %arg8[%dma_start3A_34, %dma_start3A_35] : memref<128x64xf32, #tpu.memory_space<vmem>> -> memref<128x64xf32, #tpu.memory_space<vmem>>
      tpu.enqueue_dma source(%dma_start3A_36 : memref<128x64xf32, #tpu.memory_space<vmem>>) target(%dma_start3A_33 : memref<128x64xf32, #tpu.memory_space<vmem_shared>>) target_semaphore(%run_scoped3A : memref<!tpu.dma_semaphore, #tpu.memory_space<semaphore_mem>>)
      %dma_wait3A = arith.constant 0 : i32
      %dma_wait3A_37 = arith.constant 0 : i32
      %dma_wait3A_38 = tpu.memref_slice %arg8[%dma_wait3A, %dma_wait3A_37] : memref<128x64xf32, #tpu.memory_space<vmem>> -> memref<128x64xf32, #tpu.memory_space<vmem>>
      %dma_wait3A_39 = arith.constant 0 : i32
      %dma_wait3A_40 = tpu.memref_slice %arg11[%add3A_14, %dma_wait3A_39] : memref<10240x64xf32, #tpu.memory_space<vmem_shared>> -> memref<128x64xf32, #tpu.memory_space<vmem_shared>>
      %dma_wait3A_41 = arith.constant 0 : i32
      %dma_wait3A_42 = tpu.memref_slice %arg11[%add3A_14, %dma_wait3A_41] : memref<10240x64xf32, #tpu.memory_space<vmem_shared>> -> memref<128x64xf32, #tpu.memory_space<vmem_shared>>
      %dma_wait3A_43 = arith.constant 0 : i32
      %dma_wait3A_44 = arith.constant 0 : i32
      %dma_wait3A_45 = tpu.memref_slice %arg8[%dma_wait3A_43, %dma_wait3A_44] : memref<128x64xf32, #tpu.memory_space<vmem>> -> memref<128x64xf32, #tpu.memory_space<vmem>>
      tpu.wait_dma2 semaphore(%run_scoped3A : memref<!tpu.dma_semaphore, #tpu.memory_space<semaphore_mem>>) src(%dma_wait3A_45 : memref<128x64xf32, #tpu.memory_space<vmem>>) dst(%dma_wait3A_42 : memref<128x64xf32, #tpu.memory_space<vmem_shared>>)
      tpu.yield
    }) : () -> ()
    %mul3A_15 = arith.constant 640 : i32
    %mul3A_16 = arith.muli %arg1, %mul3A_15 : i32
    %add3A_17 = arith.constant 384 : i32
    %add3A_18 = arith.addi %mul3A_16, %add3A_17 : i32
    "tpu.region"() ({
      %run_scoped3A = tpu.sem_alloc : memref<!tpu.dma_semaphore, #tpu.memory_space<semaphore_mem>>
      %dma_start3A = arith.constant 0 : i32
      %dma_start3A_28 = arith.constant 0 : i32
      %dma_start3A_29 = tpu.memref_slice %arg8[%dma_start3A, %dma_start3A_28] : memref<128x64xf32, #tpu.memory_space<vmem>> -> memref<128x64xf32, #tpu.memory_space<vmem>>
      %dma_start3A_30 = arith.constant 0 : i32
      %dma_start3A_31 = tpu.memref_slice %arg11[%add3A_18, %dma_start3A_30] : memref<10240x64xf32, #tpu.memory_space<vmem_shared>> -> memref<128x64xf32, #tpu.memory_space<vmem_shared>>
      %dma_start3A_32 = arith.constant 0 : i32
      %dma_start3A_33 = tpu.memref_slice %arg11[%add3A_18, %dma_start3A_32] : memref<10240x64xf32, #tpu.memory_space<vmem_shared>> -> memref<128x64xf32, #tpu.memory_space<vmem_shared>>
      %dma_start3A_34 = arith.constant 0 : i32
      %dma_start3A_35 = arith.constant 0 : i32
      %dma_start3A_36 = tpu.memref_slice %arg8[%dma_start3A_34, %dma_start3A_35] : memref<128x64xf32, #tpu.memory_space<vmem>> -> memref<128x64xf32, #tpu.memory_space<vmem>>
      tpu.enqueue_dma source(%dma_start3A_36 : memref<128x64xf32, #tpu.memory_space<vmem>>) target(%dma_start3A_33 : memref<128x64xf32, #tpu.memory_space<vmem_shared>>) target_semaphore(%run_scoped3A : memref<!tpu.dma_semaphore, #tpu.memory_space<semaphore_mem>>)
      %dma_wait3A = arith.constant 0 : i32
      %dma_wait3A_37 = arith.constant 0 : i32
      %dma_wait3A_38 = tpu.memref_slice %arg8[%dma_wait3A, %dma_wait3A_37] : memref<128x64xf32, #tpu.memory_space<vmem>> -> memref<128x64xf32, #tpu.memory_space<vmem>>
      %dma_wait3A_39 = arith.constant 0 : i32
      %dma_wait3A_40 = tpu.memref_slice %arg11[%add3A_18, %dma_wait3A_39] : memref<10240x64xf32, #tpu.memory_space<vmem_shared>> -> memref<128x64xf32, #tpu.memory_space<vmem_shared>>
      %dma_wait3A_41 = arith.constant 0 : i32
      %dma_wait3A_42 = tpu.memref_slice %arg11[%add3A_18, %dma_wait3A_41] : memref<10240x64xf32, #tpu.memory_space<vmem_shared>> -> memref<128x64xf32, #tpu.memory_space<vmem_shared>>
      %dma_wait3A_43 = arith.constant 0 : i32
      %dma_wait3A_44 = arith.constant 0 : i32
      %dma_wait3A_45 = tpu.memref_slice %arg8[%dma_wait3A_43, %dma_wait3A_44] : memref<128x64xf32, #tpu.memory_space<vmem>> -> memref<128x64xf32, #tpu.memory_space<vmem>>
      tpu.wait_dma2 semaphore(%run_scoped3A : memref<!tpu.dma_semaphore, #tpu.memory_space<semaphore_mem>>) src(%dma_wait3A_45 : memref<128x64xf32, #tpu.memory_space<vmem>>) dst(%dma_wait3A_42 : memref<128x64xf32, #tpu.memory_space<vmem_shared>>)
      tpu.yield
    }) : () -> ()
    %mul3A_19 = arith.constant 640 : i32
    %mul3A_20 = arith.muli %arg1, %mul3A_19 : i32
    %add3A_21 = arith.constant 512 : i32
    %add3A_22 = arith.addi %mul3A_20, %add3A_21 : i32
    "tpu.region"() ({
      %run_scoped3A = tpu.sem_alloc : memref<!tpu.dma_semaphore, #tpu.memory_space<semaphore_mem>>
      %dma_start3A = arith.constant 0 : i32
      %dma_start3A_28 = arith.constant 0 : i32
      %dma_start3A_29 = tpu.memref_slice %arg8[%dma_start3A, %dma_start3A_28] : memref<128x64xf32, #tpu.memory_space<vmem>> -> memref<128x64xf32, #tpu.memory_space<vmem>>
      %dma_start3A_30 = arith.constant 0 : i32
      %dma_start3A_31 = tpu.memref_slice %arg11[%add3A_22, %dma_start3A_30] : memref<10240x64xf32, #tpu.memory_space<vmem_shared>> -> memref<128x64xf32, #tpu.memory_space<vmem_shared>>
      %dma_start3A_32 = arith.constant 0 : i32
      %dma_start3A_33 = tpu.memref_slice %arg11[%add3A_22, %dma_start3A_32] : memref<10240x64xf32, #tpu.memory_space<vmem_shared>> -> memref<128x64xf32, #tpu.memory_space<vmem_shared>>
      %dma_start3A_34 = arith.constant 0 : i32
      %dma_start3A_35 = arith.constant 0 : i32
      %dma_start3A_36 = tpu.memref_slice %arg8[%dma_start3A_34, %dma_start3A_35] : memref<128x64xf32, #tpu.memory_space<vmem>> -> memref<128x64xf32, #tpu.memory_space<vmem>>
      tpu.enqueue_dma source(%dma_start3A_36 : memref<128x64xf32, #tpu.memory_space<vmem>>) target(%dma_start3A_33 : memref<128x64xf32, #tpu.memory_space<vmem_shared>>) target_semaphore(%run_scoped3A : memref<!tpu.dma_semaphore, #tpu.memory_space<semaphore_mem>>)
      %dma_wait3A = arith.constant 0 : i32
      %dma_wait3A_37 = arith.constant 0 : i32
      %dma_wait3A_38 = tpu.memref_slice %arg8[%dma_wait3A, %dma_wait3A_37] : memref<128x64xf32, #tpu.memory_space<vmem>> -> memref<128x64xf32, #tpu.memory_space<vmem>>
      %dma_wait3A_39 = arith.constant 0 : i32
      %dma_wait3A_40 = tpu.memref_slice %arg11[%add3A_22, %dma_wait3A_39] : memref<10240x64xf32, #tpu.memory_space<vmem_shared>> -> memref<128x64xf32, #tpu.memory_space<vmem_shared>>
      %dma_wait3A_41 = arith.constant 0 : i32
      %dma_wait3A_42 = tpu.memref_slice %arg11[%add3A_22, %dma_wait3A_41] : memref<10240x64xf32, #tpu.memory_space<vmem_shared>> -> memref<128x64xf32, #tpu.memory_space<vmem_shared>>
      %dma_wait3A_43 = arith.constant 0 : i32
      %dma_wait3A_44 = arith.constant 0 : i32
      %dma_wait3A_45 = tpu.memref_slice %arg8[%dma_wait3A_43, %dma_wait3A_44] : memref<128x64xf32, #tpu.memory_space<vmem>> -> memref<128x64xf32, #tpu.memory_space<vmem>>
      tpu.wait_dma2 semaphore(%run_scoped3A : memref<!tpu.dma_semaphore, #tpu.memory_space<semaphore_mem>>) src(%dma_wait3A_45 : memref<128x64xf32, #tpu.memory_space<vmem>>) dst(%dma_wait3A_42 : memref<128x64xf32, #tpu.memory_space<vmem_shared>>)
      tpu.yield
    }) : () -> ()
    %barrier3A = arith.constant 0 : index
    tpu.barrier barrier_id(%barrier3A)
    %barrier3A_23 = arith.constant 0 : index
    tpu.barrier barrier_id(%barrier3A_23)
    %mul3A_24 = arith.constant 640 : i32
    %mul3A_25 = arith.muli %arg1, %mul3A_24 : i32
    %mul3A_26 = arith.constant 640 : i32
    %mul3A_27 = arith.muli %arg1, %mul3A_26 : i32
    "tpu.region"() ({
      %run_scoped3A = tpu.sem_alloc : memref<!tpu.dma_semaphore, #tpu.memory_space<semaphore_mem>>
      %dma_start3A = arith.constant 0 : i32
      %dma_start3A_28 = arith.constant 0 : i32
      %dma_start3A_29 = tpu.memref_slice %arg5[%arg0, %dma_start3A, %dma_start3A_28] : memref<2x10240x64xf32, #tpu.memory_space<hbm>> -> memref<1x10240x64xf32, #tpu.memory_space<hbm>>
      %dma_start3A_30 = tpu.memref_squeeze %dma_start3A_29 : memref<1x10240x64xf32, #tpu.memory_space<hbm>> -> memref<10240x64xf32, #tpu.memory_space<hbm>>
      %dma_start3A_31 = arith.constant 0 : i32
      %dma_start3A_32 = tpu.memref_slice %dma_start3A_30[%mul3A_27, %dma_start3A_31] : memref<10240x64xf32, #tpu.memory_space<hbm>> -> memref<640x64xf32, #tpu.memory_space<hbm>>
      %dma_start3A_33 = arith.constant 0 : i32
      %dma_start3A_34 = tpu.memref_slice %arg11[%mul3A_25, %dma_start3A_33] : memref<10240x64xf32, #tpu.memory_space<vmem_shared>> -> memref<640x64xf32, #tpu.memory_space<vmem_shared>>
      tpu.enqueue_dma source(%dma_start3A_34 : memref<640x64xf32, #tpu.memory_space<vmem_shared>>) target(%dma_start3A_32 : memref<640x64xf32, #tpu.memory_space<hbm>>) target_semaphore(%run_scoped3A : memref<!tpu.dma_semaphore, #tpu.memory_space<semaphore_mem>>)
      %dma_wait3A = arith.constant 0 : i32
      %dma_wait3A_35 = arith.constant 0 : i32
      %dma_wait3A_36 = tpu.memref_slice %arg5[%arg0, %dma_wait3A, %dma_wait3A_35] : memref<2x10240x64xf32, #tpu.memory_space<hbm>> -> memref<1x10240x64xf32, #tpu.memory_space<hbm>>
      %dma_wait3A_37 = tpu.memref_squeeze %dma_wait3A_36 : memref<1x10240x64xf32, #tpu.memory_space<hbm>> -> memref<10240x64xf32, #tpu.memory_space<hbm>>
      %dma_wait3A_38 = arith.constant 0 : i32
      %dma_wait3A_39 = tpu.memref_slice %dma_wait3A_37[%mul3A_27, %dma_wait3A_38] : memref<10240x64xf32, #tpu.memory_space<hbm>> -> memref<640x64xf32, #tpu.memory_space<hbm>>
      %dma_wait3A_40 = arith.constant 0 : i32
      %dma_wait3A_41 = tpu.memref_slice %arg11[%mul3A_25, %dma_wait3A_40] : memref<10240x64xf32, #tpu.memory_space<vmem_shared>> -> memref<640x64xf32, #tpu.memory_space<vmem_shared>>
      tpu.wait_dma2 semaphore(%run_scoped3A : memref<!tpu.dma_semaphore, #tpu.memory_space<semaphore_mem>>) src(%dma_wait3A_41 : memref<640x64xf32, #tpu.memory_space<vmem_shared>>) dst(%dma_wait3A_39 : memref<640x64xf32, #tpu.memory_space<hbm>>)
      tpu.yield
    }) : () -> ()
    return
  }
}

module attributes {stable_mosaic.version = 14 : i64} {
  func.func @_tc_layer_body(%arg0: i32, %arg1: memref<2x2048x64xf32, #tpu.memory_space<vmem>>, %arg2: memref<2x2048x64xf32, #tpu.memory_space<vmem>>, %arg3: memref<128x128xf32, #tpu.memory_space<vmem>>, %arg4: memref<1x128xf32, #tpu.memory_space<vmem>>, %arg5: memref<128x128xf32, #tpu.memory_space<vmem>>, %arg6: memref<2x2048x64xf32, #tpu.memory_space<vmem>>) attributes {dimension_semantics = [#tpu.dimension_semantics<arbitrary>], iteration_bounds = array<i64: 5>, scalar_prefetch = 0 : i64, scratch_operands = 0 : i64, tpu.core_type = #tpu.core_type<tc>, window_params = [{transform_indices = @transform_0, window_bounds = array<i64: 2, 2048, 64>}, {transform_indices = @transform_1, window_bounds = array<i64: 2, 2048, 64>}, {pipeline_mode = #tpu.pipeline_mode<synchronous>, transform_indices = @transform_2, window_bounds = array<i64: 128, 128>}, {pipeline_mode = #tpu.pipeline_mode<synchronous>, transform_indices = @transform_3, window_bounds = array<i64: 1, 128>}, {pipeline_mode = #tpu.pipeline_mode<synchronous>, transform_indices = @transform_4, window_bounds = array<i64: 128, 128>}, {transform_indices = @transform_5, window_bounds = array<i64: 2, 2048, 64>}]} {
    %get3A = arith.constant 0 : index
    %get3A_0 = arith.constant 0 : index
    %get3A_1 = arith.constant 0 : index
    %get3A_2 = vector.load %arg1[%get3A, %get3A_0, %get3A_1] : memref<2x2048x64xf32, #tpu.memory_space<vmem>>, vector<2x2048x64xf32>
    %get3A_3 = arith.constant 0 : index
    %get3A_4 = arith.constant 0 : index
    %get3A_5 = vector.load %arg3[%get3A_3, %get3A_4] : memref<128x128xf32, #tpu.memory_space<vmem>>, vector<128x128xf32>
    %slice3A = vector.extract_strided_slice %get3A_2 {offsets = [0, 0, 0], sizes = [1, 2048, 64], strides = [1, 1, 1]} : vector<2x2048x64xf32> to vector<1x2048x64xf32>
    %squeeze3A = vector.shape_cast %slice3A : vector<1x2048x64xf32> to vector<2048x64xf32>
    %slice3A_6 = vector.extract_strided_slice %get3A_5 {offsets = [0, 0], sizes = [128, 64], strides = [1, 1]} : vector<128x128xf32> to vector<128x64xf32>
    %dot_general3A = arith.constant dense<0.000000e+00> : vector<2048x128xf32>
    %dot_general3A_7 = tpu.matmul %squeeze3A, %slice3A_6, %dot_general3A {dimension_numbers = #tpu.dot_dimension_numbers<[1], [1], [0], [0], [0, 0, 1, 0], [], []>, precision = #tpu.contract_precision<fp32>, transpose_lhs_hint = false} : vector<2048x64xf32>, vector<128x64xf32>, vector<2048x128xf32> -> vector<2048x128xf32>
    %slice3A_8 = vector.extract_strided_slice %get3A_2 {offsets = [1, 0, 0], sizes = [1, 2048, 64], strides = [1, 1, 1]} : vector<2x2048x64xf32> to vector<1x2048x64xf32>
    %squeeze3A_9 = vector.shape_cast %slice3A_8 : vector<1x2048x64xf32> to vector<2048x64xf32>
    %slice3A_10 = vector.extract_strided_slice %get3A_5 {offsets = [0, 64], sizes = [128, 64], strides = [1, 1]} : vector<128x128xf32> to vector<128x64xf32>
    %dot_general3A_11 = arith.constant dense<0.000000e+00> : vector<2048x128xf32>
    %dot_general3A_12 = tpu.matmul %squeeze3A_9, %slice3A_10, %dot_general3A_11 {dimension_numbers = #tpu.dot_dimension_numbers<[1], [1], [0], [0], [0, 0, 1, 0], [], []>, precision = #tpu.contract_precision<fp32>, transpose_lhs_hint = false} : vector<2048x64xf32>, vector<128x64xf32>, vector<2048x128xf32> -> vector<2048x128xf32>
    %add3A = arith.addf %dot_general3A_7, %dot_general3A_12 : vector<2048x128xf32>
    %get3A_13 = arith.constant 0 : index
    %get3A_14 = arith.constant 0 : index
    %get3A_15 = vector.load %arg4[%get3A_13, %get3A_14] : memref<1x128xf32, #tpu.memory_space<vmem>>, vector<1x128xf32>
    %get3A_16 = vector.shape_cast %get3A_15 : vector<1x128xf32> to vector<128xf32>
    %broadcast_in_dim3A = vector.shape_cast %get3A_16 : vector<128xf32> to vector<1x128xf32>
    %add3A_17 = vector.broadcast %broadcast_in_dim3A : vector<1x128xf32> to vector<2048x128xf32>
    %add3A_18 = arith.addf %add3A, %add3A_17 : vector<2048x128xf32>
    %get3A_19 = arith.constant 0 : index
    %get3A_20 = arith.constant 0 : index
    %get3A_21 = arith.constant 0 : index
    %get3A_22 = vector.load %arg2[%get3A_19, %get3A_20, %get3A_21] : memref<2x2048x64xf32, #tpu.memory_space<vmem>>, vector<2x2048x64xf32>
    %get3A_23 = arith.constant 0 : index
    %get3A_24 = arith.constant 0 : index
    %get3A_25 = vector.load %arg5[%get3A_23, %get3A_24] : memref<128x128xf32, #tpu.memory_space<vmem>>, vector<128x128xf32>
    %slice3A_26 = vector.extract_strided_slice %get3A_22 {offsets = [0, 0, 0], sizes = [1, 2048, 64], strides = [1, 1, 1]} : vector<2x2048x64xf32> to vector<1x2048x64xf32>
    %squeeze3A_27 = vector.shape_cast %slice3A_26 : vector<1x2048x64xf32> to vector<2048x64xf32>
    %slice3A_28 = vector.extract_strided_slice %get3A_25 {offsets = [0, 0], sizes = [128, 64], strides = [1, 1]} : vector<128x128xf32> to vector<128x64xf32>
    %dot_general3A_29 = arith.constant dense<0.000000e+00> : vector<2048x128xf32>
    %dot_general3A_30 = tpu.matmul %squeeze3A_27, %slice3A_28, %dot_general3A_29 {dimension_numbers = #tpu.dot_dimension_numbers<[1], [1], [0], [0], [0, 0, 1, 0], [], []>, precision = #tpu.contract_precision<fp32>, transpose_lhs_hint = false} : vector<2048x64xf32>, vector<128x64xf32>, vector<2048x128xf32> -> vector<2048x128xf32>
    %slice3A_31 = vector.extract_strided_slice %get3A_22 {offsets = [1, 0, 0], sizes = [1, 2048, 64], strides = [1, 1, 1]} : vector<2x2048x64xf32> to vector<1x2048x64xf32>
    %squeeze3A_32 = vector.shape_cast %slice3A_31 : vector<1x2048x64xf32> to vector<2048x64xf32>
    %slice3A_33 = vector.extract_strided_slice %get3A_25 {offsets = [0, 64], sizes = [128, 64], strides = [1, 1]} : vector<128x128xf32> to vector<128x64xf32>
    %dot_general3A_34 = arith.constant dense<0.000000e+00> : vector<2048x128xf32>
    %dot_general3A_35 = tpu.matmul %squeeze3A_32, %slice3A_33, %dot_general3A_34 {dimension_numbers = #tpu.dot_dimension_numbers<[1], [1], [0], [0], [0, 0, 1, 0], [], []>, precision = #tpu.contract_precision<fp32>, transpose_lhs_hint = false} : vector<2048x64xf32>, vector<128x64xf32>, vector<2048x128xf32> -> vector<2048x128xf32>
    %add3A_36 = arith.addf %dot_general3A_30, %dot_general3A_35 : vector<2048x128xf32>
    %add3A_37 = arith.addf %add3A_18, %add3A_36 : vector<2048x128xf32>
    %max3A = arith.constant 0.000000e+00 : f32
    %max3A_38 = vector.broadcast %max3A : f32 to vector<2048x128xf32>
    %max3A_39 = arith.maximumf %add3A_37, %max3A_38 : vector<2048x128xf32>
    %slice3A_40 = vector.extract_strided_slice %max3A_39 {offsets = [0, 0], sizes = [2048, 64], strides = [1, 1]} : vector<2048x128xf32> to vector<2048x64xf32>
    %swap3A = arith.constant 0 : index
    %swap3A_41 = arith.constant 0 : index
    %swap3A_42 = arith.constant 0 : index
    %swap3A_43 = vector.load %arg6[%swap3A, %swap3A_41, %swap3A_42] : memref<2x2048x64xf32, #tpu.memory_space<vmem>>, vector<1x2048x64xf32>
    %swap3A_44 = vector.shape_cast %swap3A_43 : vector<1x2048x64xf32> to vector<2048x64xf32>
    %swap3A_45 = vector.shape_cast %slice3A_40 : vector<2048x64xf32> to vector<1x2048x64xf32>
    tpu.vector_store %arg6[%swap3A, %swap3A_41, %swap3A_42], %swap3A_45 {strides = array<i32>} : memref<2x2048x64xf32, #tpu.memory_space<vmem>>, vector<1x2048x64xf32>,
    %slice3A_46 = vector.extract_strided_slice %max3A_39 {offsets = [0, 64], sizes = [2048, 64], strides = [1, 1]} : vector<2048x128xf32> to vector<2048x64xf32>
    %swap3A_47 = arith.constant 1 : index
    %swap3A_48 = arith.constant 0 : index
    %swap3A_49 = arith.constant 0 : index
    %swap3A_50 = vector.load %arg6[%swap3A_47, %swap3A_48, %swap3A_49] : memref<2x2048x64xf32, #tpu.memory_space<vmem>>, vector<1x2048x64xf32>
    %swap3A_51 = vector.shape_cast %swap3A_50 : vector<1x2048x64xf32> to vector<2048x64xf32>
    %swap3A_52 = vector.shape_cast %slice3A_46 : vector<2048x64xf32> to vector<1x2048x64xf32>
    tpu.vector_store %arg6[%swap3A_47, %swap3A_48, %swap3A_49], %swap3A_52 {strides = array<i32>} : memref<2x2048x64xf32, #tpu.memory_space<vmem>>, vector<1x2048x64xf32>,
    return
  }
  func.func @transform_0(%arg0: i32) -> (i32, i32, i32) {
    %c0_i32 = arith.constant 0 : i32
    %c0_i32_0 = arith.constant 0 : i32
    %c0_i32_1 = arith.constant 0 : i32
    return %c0_i32, %arg0, %c0_i32_0 : i32, i32, i32
  }
  func.func @transform_1(%arg0: i32) -> (i32, i32, i32) {
    %c0_i32 = arith.constant 0 : i32
    %c0_i32_0 = arith.constant 0 : i32
    %c0_i32_1 = arith.constant 0 : i32
    return %c0_i32, %arg0, %c0_i32_0 : i32, i32, i32
  }
  func.func @transform_2(%arg0: i32) -> (i32, i32) {
    %c0_i32 = arith.constant 0 : i32
    %c0_i32_0 = arith.constant 0 : i32
    %c0_i32_1 = arith.constant 0 : i32
    return %c0_i32, %c0_i32_0 : i32, i32
  }
  func.func @transform_3(%arg0: i32) -> (i32, i32) {
    %c0_i32 = arith.constant 0 : i32
    %c0_i32_0 = arith.constant 0 : i32
    %c0_i32_1 = arith.constant 0 : i32
    return %c0_i32, %c0_i32_0 : i32, i32
  }
  func.func @transform_4(%arg0: i32) -> (i32, i32) {
    %c0_i32 = arith.constant 0 : i32
    %c0_i32_0 = arith.constant 0 : i32
    %c0_i32_1 = arith.constant 0 : i32
    return %c0_i32, %c0_i32_0 : i32, i32
  }
  func.func @transform_5(%arg0: i32) -> (i32, i32, i32) {
    %c0_i32 = arith.constant 0 : i32
    %c0_i32_0 = arith.constant 0 : i32
    %c0_i32_1 = arith.constant 0 : i32
    return %c0_i32, %arg0, %c0_i32_0 : i32, i32, i32
  }
}

module attributes {stable_mosaic.version = 14 : i64} {
  func.func @_tc_layer_body(%arg0: i32, %arg1: memref<2x2000x64xf32, #tpu.memory_space<vmem>>, %arg2: memref<2x2000x64xf32, #tpu.memory_space<vmem>>, %arg3: memref<128x128xf32, #tpu.memory_space<vmem>>, %arg4: memref<1x128xf32, #tpu.memory_space<vmem>>, %arg5: memref<128x128xf32, #tpu.memory_space<vmem>>, %arg6: memref<2000x128xf32, #tpu.memory_space<vmem>>) attributes {dimension_semantics = [#tpu.dimension_semantics<arbitrary>], iteration_bounds = array<i64: 5>, scalar_prefetch = 0 : i64, scratch_operands = 0 : i64, tpu.core_type = #tpu.core_type<tc>, window_params = [{transform_indices = @transform_0, window_bounds = array<i64: 2, 2000, 64>}, {transform_indices = @transform_1, window_bounds = array<i64: 2, 2000, 64>}, {pipeline_mode = #tpu.pipeline_mode<synchronous>, transform_indices = @transform_2, window_bounds = array<i64: 128, 128>}, {pipeline_mode = #tpu.pipeline_mode<synchronous>, transform_indices = @transform_3, window_bounds = array<i64: 1, 128>}, {pipeline_mode = #tpu.pipeline_mode<synchronous>, transform_indices = @transform_4, window_bounds = array<i64: 128, 128>}, {transform_indices = @transform_5, window_bounds = array<i64: 2000, 128>}]} {
    %get3A = arith.constant 0 : index
    %get3A_0 = arith.constant 0 : index
    %get3A_1 = arith.constant 0 : index
    %get3A_2 = vector.load %arg1[%get3A, %get3A_0, %get3A_1] : memref<2x2000x64xf32, #tpu.memory_space<vmem>>, vector<2x2000x64xf32>
    %get3A_3 = arith.constant 0 : index
    %get3A_4 = arith.constant 0 : index
    %get3A_5 = vector.load %arg3[%get3A_3, %get3A_4] : memref<128x128xf32, #tpu.memory_space<vmem>>, vector<128x128xf32>
    %slice3A = vector.extract_strided_slice %get3A_2 {offsets = [0, 0, 0], sizes = [1, 2000, 64], strides = [1, 1, 1]} : vector<2x2000x64xf32> to vector<1x2000x64xf32>
    %squeeze3A = vector.shape_cast %slice3A : vector<1x2000x64xf32> to vector<2000x64xf32>
    %slice3A_6 = vector.extract_strided_slice %get3A_5 {offsets = [0, 0], sizes = [128, 64], strides = [1, 1]} : vector<128x128xf32> to vector<128x64xf32>
    %dot_general3A = arith.constant dense<0.000000e+00> : vector<2000x128xf32>
    %dot_general3A_7 = tpu.matmul %squeeze3A, %slice3A_6, %dot_general3A {dimension_numbers = #tpu.dot_dimension_numbers<[1], [1], [0], [0], [0, 0, 1, 0], [], []>, precision = #tpu.contract_precision<fp32>, transpose_lhs_hint = false} : vector<2000x64xf32>, vector<128x64xf32>, vector<2000x128xf32> -> vector<2000x128xf32>
    %slice3A_8 = vector.extract_strided_slice %get3A_2 {offsets = [1, 0, 0], sizes = [1, 2000, 64], strides = [1, 1, 1]} : vector<2x2000x64xf32> to vector<1x2000x64xf32>
    %squeeze3A_9 = vector.shape_cast %slice3A_8 : vector<1x2000x64xf32> to vector<2000x64xf32>
    %slice3A_10 = vector.extract_strided_slice %get3A_5 {offsets = [0, 64], sizes = [128, 64], strides = [1, 1]} : vector<128x128xf32> to vector<128x64xf32>
    %dot_general3A_11 = arith.constant dense<0.000000e+00> : vector<2000x128xf32>
    %dot_general3A_12 = tpu.matmul %squeeze3A_9, %slice3A_10, %dot_general3A_11 {dimension_numbers = #tpu.dot_dimension_numbers<[1], [1], [0], [0], [0, 0, 1, 0], [], []>, precision = #tpu.contract_precision<fp32>, transpose_lhs_hint = false} : vector<2000x64xf32>, vector<128x64xf32>, vector<2000x128xf32> -> vector<2000x128xf32>
    %add3A = arith.addf %dot_general3A_7, %dot_general3A_12 : vector<2000x128xf32>
    %get3A_13 = arith.constant 0 : index
    %get3A_14 = arith.constant 0 : index
    %get3A_15 = vector.load %arg4[%get3A_13, %get3A_14] : memref<1x128xf32, #tpu.memory_space<vmem>>, vector<1x128xf32>
    %get3A_16 = vector.shape_cast %get3A_15 : vector<1x128xf32> to vector<128xf32>
    %broadcast_in_dim3A = vector.shape_cast %get3A_16 : vector<128xf32> to vector<1x128xf32>
    %add3A_17 = vector.broadcast %broadcast_in_dim3A : vector<1x128xf32> to vector<2000x128xf32>
    %add3A_18 = arith.addf %add3A, %add3A_17 : vector<2000x128xf32>
    %get3A_19 = arith.constant 0 : index
    %get3A_20 = arith.constant 0 : index
    %get3A_21 = arith.constant 0 : index
    %get3A_22 = vector.load %arg2[%get3A_19, %get3A_20, %get3A_21] : memref<2x2000x64xf32, #tpu.memory_space<vmem>>, vector<2x2000x64xf32>
    %get3A_23 = arith.constant 0 : index
    %get3A_24 = arith.constant 0 : index
    %get3A_25 = vector.load %arg5[%get3A_23, %get3A_24] : memref<128x128xf32, #tpu.memory_space<vmem>>, vector<128x128xf32>
    %slice3A_26 = vector.extract_strided_slice %get3A_22 {offsets = [0, 0, 0], sizes = [1, 2000, 64], strides = [1, 1, 1]} : vector<2x2000x64xf32> to vector<1x2000x64xf32>
    %squeeze3A_27 = vector.shape_cast %slice3A_26 : vector<1x2000x64xf32> to vector<2000x64xf32>
    %slice3A_28 = vector.extract_strided_slice %get3A_25 {offsets = [0, 0], sizes = [128, 64], strides = [1, 1]} : vector<128x128xf32> to vector<128x64xf32>
    %dot_general3A_29 = arith.constant dense<0.000000e+00> : vector<2000x128xf32>
    %dot_general3A_30 = tpu.matmul %squeeze3A_27, %slice3A_28, %dot_general3A_29 {dimension_numbers = #tpu.dot_dimension_numbers<[1], [1], [0], [0], [0, 0, 1, 0], [], []>, precision = #tpu.contract_precision<fp32>, transpose_lhs_hint = false} : vector<2000x64xf32>, vector<128x64xf32>, vector<2000x128xf32> -> vector<2000x128xf32>
    %slice3A_31 = vector.extract_strided_slice %get3A_22 {offsets = [1, 0, 0], sizes = [1, 2000, 64], strides = [1, 1, 1]} : vector<2x2000x64xf32> to vector<1x2000x64xf32>
    %squeeze3A_32 = vector.shape_cast %slice3A_31 : vector<1x2000x64xf32> to vector<2000x64xf32>
    %slice3A_33 = vector.extract_strided_slice %get3A_25 {offsets = [0, 64], sizes = [128, 64], strides = [1, 1]} : vector<128x128xf32> to vector<128x64xf32>
    %dot_general3A_34 = arith.constant dense<0.000000e+00> : vector<2000x128xf32>
    %dot_general3A_35 = tpu.matmul %squeeze3A_32, %slice3A_33, %dot_general3A_34 {dimension_numbers = #tpu.dot_dimension_numbers<[1], [1], [0], [0], [0, 0, 1, 0], [], []>, precision = #tpu.contract_precision<fp32>, transpose_lhs_hint = false} : vector<2000x64xf32>, vector<128x64xf32>, vector<2000x128xf32> -> vector<2000x128xf32>
    %add3A_36 = arith.addf %dot_general3A_30, %dot_general3A_35 : vector<2000x128xf32>
    %add3A_37 = arith.addf %add3A_18, %add3A_36 : vector<2000x128xf32>
    %swap3A = arith.constant 0 : index
    %swap3A_38 = arith.constant 0 : index
    %swap3A_39 = vector.load %arg6[%swap3A, %swap3A_38] : memref<2000x128xf32, #tpu.memory_space<vmem>>, vector<2000x128xf32>
    tpu.vector_store %arg6[%swap3A, %swap3A_38], %add3A_37 {strides = array<i32>} : memref<2000x128xf32, #tpu.memory_space<vmem>>, vector<2000x128xf32>,
    return
  }
  func.func @transform_0(%arg0: i32) -> (i32, i32, i32) {
    %c0_i32 = arith.constant 0 : i32
    %c0_i32_0 = arith.constant 0 : i32
    %c0_i32_1 = arith.constant 0 : i32
    return %c0_i32, %arg0, %c0_i32_0 : i32, i32, i32
  }
  func.func @transform_1(%arg0: i32) -> (i32, i32, i32) {
    %c0_i32 = arith.constant 0 : i32
    %c0_i32_0 = arith.constant 0 : i32
    %c0_i32_1 = arith.constant 0 : i32
    return %c0_i32, %arg0, %c0_i32_0 : i32, i32, i32
  }
  func.func @transform_2(%arg0: i32) -> (i32, i32) {
    %c0_i32 = arith.constant 0 : i32
    %c0_i32_0 = arith.constant 0 : i32
    %c0_i32_1 = arith.constant 0 : i32
    return %c0_i32, %c0_i32_0 : i32, i32
  }
  func.func @transform_3(%arg0: i32) -> (i32, i32) {
    %c0_i32 = arith.constant 0 : i32
    %c0_i32_0 = arith.constant 0 : i32
    %c0_i32_1 = arith.constant 0 : i32
    return %c0_i32, %c0_i32_0 : i32, i32
  }
  func.func @transform_4(%arg0: i32) -> (i32, i32) {
    %c0_i32 = arith.constant 0 : i32
    %c0_i32_0 = arith.constant 0 : i32
    %c0_i32_1 = arith.constant 0 : i32
    return %c0_i32, %c0_i32_0 : i32, i32
  }
  func.func @transform_5(%arg0: i32) -> (i32, i32) {
    %c0_i32 = arith.constant 0 : i32
    %c0_i32_0 = arith.constant 0 : i32
    return %arg0, %c0_i32 : i32, i32
  }
}

</mosaic_0001>

<sc_bundles>
// kernel: kernel.11.cloned.1.call-start
scs
__scs_entry_jumppad:
0x0: {  	(pc) =	sbr.rel $0x88, $3  }
0x1: {  	(tag) =	ssettag $0x0;
	lr =	simm.s32 $0x1  }
0x2: {  	[smem:$0x3F96] =	sst lr;
	_ =	strace $0xD0000000  }
0x3: {  	_ = 	snop  }
0x4: {  	_ = 	snop  }
0x5: {  	_ = 	snop  }
0x6: {  	_ = 	snop  }
0x7: {  	_ = 	snop  }
__scs_overlays_trampoline_lowered:
0x8: {  	[smem:$0x3FA5] =	sst s0  }
0x9: {  	[smem:$0x3FA6] =	sst s1  }
0xa: {  	[smem:$0x3FA7] =	sst s2  }
0xb: {  	[smem:$0x3FA8] =	sst s3  }
0xc: {  	[smem:$0x3FA9] =	sst s4  }
0xd: {  	[smem:$0x3FAA] =	sst s5  }
0xe: {  	[smem:$0x3FAB] =	sst s6  }
0xf: {  	[smem:$0x3FAC] =	sst s7  }
0x10: {  	[smem:$0x3FAD] =	sst s8  }
0x11: {  	[smem:$0x3FAE] =	sst s9;
	s0 =	simm.s32 @!p0 $0x0  }
0x12: {  	s1 =	sld [smem:$0x3F94];
	s0 =	simm.s32 @p0 $0x1  }
0x13: {  	[smem:$0x3FAF] =	sst s0;
	s0 =	simm.s32 @!p1 $0x0  }
0x14: {  	s2 =	sld [smem:$0x3F93];
	s0 =	simm.s32 @p1 $0x1  }
0x15: {  	[smem:$0x3FB0] =	sst s0;
	s0 =	simm.s32 @!p2 $0x0  }
0x16: {  	s3 =	sld [smem:$0x3FDB];
	s0 =	simm.s32 @p2 $0x1  }
0x17: {  	s4 =	simm.s32 $0x1BF5;
	[smem:$0x3FB2] =	sst s0  }
0x18: {  	s0 =	sld [smem:$0x3F95];
	_ =	swait.ge [sflag:s4], $0x0  }
0x19: {  	s7 =	sld [smem:$0x3F96]  }
0x1a: {  	s8 =	sadd.s32 $0xFFFFE003, lr  }
0x1b: {  	s9 =	sadd.s32 $0xFFFFFEF7, lr;
	s5 =	simm.s32 $0xFFFFFFFF;
	p2 =	slt.u32 s8, $0xFFFFF086  }
0x1c: {  	p1 =	slt.u32 s9, $0xF7A;
	s5 =	simm.s32 @!p2 $0x0  }
0x1d: {  	s5 =	simm.s32 @p1 $0x1;
	p0 =	seq.s32 s7, s2  }
0x1e: {  	s7 =	smul.u32 @!p0 $0xF7A, s2;
	p2 =	seq.s32 @!p0 s5, $0x0  }
0x1f: {  	s9 =	smul.u32 $0xF7A, s1;
	s8 =	simm.s32 @!p0 $0x1BF5;
	p2 =	por !p2, p0  }
0x20: {  	[sflag:s8] =	ssyncset.s32 @!p0 $0xFFFFF086;
	s6 =	sadd.s32 @!p0 s3, s7;
	s7 =	simm.s32 @!p0 $0x108  }
0x21: {  	s3 =	sadd.s32 s3, s9;
	s6 =	sadd.s32 @!p0 $0x88, s6;
	s7 =	simm.s32 @p2 $0x1082  }
0x22: {  	[simem:s7], [sflag:s8] =	dma.local @!p0 [hbm:s6], $0xF7A  }
0x23: {  	s9 =	sor.u32 $0xD0000000, s2;
	s6 =	simm.s32 $0x108;
	_ =	swait.ge @!p0 [sflag:s8], $0x0  }
0x24: {  	s3 =	sadd.s32 $0x88, s3;
	s6 =	simm.s32 @!p1 $0x1082;
	[sflag:s4] =	ssyncset.s32 $0xFFFFF086  }
0x25: {  	[simem:s6], [sflag:s4] =	dma.local [hbm:s3], $0xF7A  }
0x26: {  	[smem:$0x3F96] =	sst s1;
	(tag) =	ssettag s2;
	_ =	strace s9  }
0x27: {  	s1 =	sld [smem:$0x3FA6]  }
0x28: {  	s2 =	sld [smem:$0x3FA7]  }
0x29: {  	s4 =	sld [smem:$0x3FA9]  }
0x2a: {  	p0 =	seq.s32 s5, $0x0;
	s5 =	sld [smem:$0x3FAA]  }
0x2b: {  	s6 =	sld [smem:$0x3FAB]  }
0x2c: {  	s7 =	sld [smem:$0x3FAC]  }
0x2d: {  	s3 =	simm.s32 $0x108;
	s8 =	sld [smem:$0x3FAD]  }
0x2e: {  	s3 =	simm.s32 @!p0 $0x1082;
	s9 =	sld [smem:$0x3FAE]  }
0x2f: {  	lr =	sadd.s32 s0, s3;
	s0 =	sld [smem:$0x3FA5]  }
0x30: {  	s3 =	sld [smem:$0x3FA8]  }
0x31: {  	[smem:$0x3FB1] =	sst s10  }
0x32: {  	s10 =	sld [smem:$0x3FAF];
	_ =	sdelay $0x3  }
0x33: {  	p0 =	seq.s32 s10, $0x1;
	s10 =	sld [smem:$0x3FB1];
	_ =	sdelay $0x3  }
0x34: {  	[smem:$0x3FB1] =	sst s10  }
0x35: {  	s10 =	sld [smem:$0x3FB0];
	_ =	sdelay $0x3  }
0x36: {  	p1 =	seq.s32 s10, $0x1;
	s10 =	sld [smem:$0x3FB1];
	_ =	sdelay $0x3  }
0x37: {  	[smem:$0x3FB1] =	sst s10  }
0x38: {  	s10 =	sld [smem:$0x3FB2]  }
0x39: {  	_ = 	snop;
	(pc) =	sbr.ind lr, $3  }
0x3a: {  	_ = 	snop  }
0x3b: {  	_ = 	snop  }
0x3c: {  	p2 =	seq.s32 s10, $0x1;
	s10 =	sld [smem:$0x3FB1]  }
0x3d: {  	_ =	shalt  }
0x3e: {  	_ =	shalt  }
0x3f: {  	_ =	shalt  }
0x40: {  	_ =	shalt  }
0x41: {  	_ =	shalt  }
0x42: {  	_ =	shalt  }
0x43: {  	_ =	shalt  }
0x44: {  	_ =	shalt  }
0x45: {  	_ =	shalt  }
0x46: {  	_ =	shalt  }
0x47: {  	_ =	shalt  }
0x48: {  	_ =	shalt  }
0x49: {  	_ =	shalt  }
0x4a: {  	_ =	shalt  }
0x4b: {  	_ =	shalt  }
0x4c: {  	_ =	shalt  }
0x4d: {  	_ =	shalt  }
0x4e: {  	_ =	shalt  }
0x4f: {  	_ =	shalt  }
0x50: {  	_ =	shalt  }
0x51: {  	_ =	shalt  }
0x52: {  	_ =	shalt  }
0x53: {  	_ =	shalt  }
0x54: {  	_ =	shalt  }
0x55: {  	_ =	shalt  }
0x56: {  	_ =	shalt  }
0x57: {  	_ =	shalt  }
0x58: {  	_ =	shalt  }
0x59: {  	_ =	shalt  }
0x5a: {  	_ =	shalt  }
0x5b: {  	_ =	shalt  }
0x5c: {  	_ =	shalt  }
0x5d: {  	_ =	shalt  }
0x5e: {  	_ =	shalt  }
0x5f: {  	_ =	shalt  }
0x60: {  	_ =	shalt  }
0x61: {  	_ =	shalt  }
0x62: {  	_ =	shalt  }
0x63: {  	_ =	shalt  }
0x64: {  	_ =	shalt  }
0x65: {  	_ =	shalt  }
0x66: {  	_ =	shalt  }
0x67: {  	_ =	shalt  }
0x68: {  	_ =	shalt  }
0x69: {  	_ =	shalt  }
0x6a: {  	_ =	shalt  }
0x6b: {  	_ =	shalt  }
0x6c: {  	_ =	shalt  }
0x6d: {  	_ =	shalt  }
0x6e: {  	_ =	shalt  }
0x6f: {  	_ =	shalt  }
0x70: {  	_ =	shalt  }
0x71: {  	_ =	shalt  }
0x72: {  	_ =	shalt  }
0x73: {  	_ =	shalt  }
0x74: {  	_ =	shalt  }
0x75: {  	_ =	shalt  }
0x76: {  	_ =	shalt  }
0x77: {  	_ =	shalt  }
0x78: {  	_ =	shalt  }
0x79: {  	_ =	shalt  }
0x7a: {  	_ =	shalt  }
0x7b: {  	_ =	shalt  }
0x7c: {  	_ =	shalt  }
0x7d: {  	_ =	shalt  }
0x7e: {  	_ =	shalt  }
0x7f: {  	_ =	shalt  }
0x80: {  	_ =	shalt  }
0x81: {  	_ =	shalt  }
0x82: {  	_ =	shalt  }
0x83: {  	_ =	shalt  }
0x84: {  	_ =	shalt  }
0x85: {  	_ =	shalt  }
0x86: {  	_ =	shalt  }
0x87: {  	_ =	shalt  }
.Lfunc_end0:
.L_simem_size_0:
called_computation.1_lowered:
.L_overlay_start_0:
0x88: {  	s2 =	sld [smem:$0x3FD9]  }
0x89: {  	s3 =	sld [smem:$0x3FFE];
	_ =	sdelay $0x1  }
0x8a: {  	s1 =	srdreg.scid  }
0x8b: {  	s0 =	sand.u32 $0x1, s1  }
0x8c: {  	s16 =	sshll.u32 s0, $0xA;
	s2 =	sadd.s32 s3, s2  }
0x8d: {  	s2 =	sadd.s32 s2, s16  }
0x8e: {  	[smem:$0x3FBD] =	sst s2  }
0x8f: {  	_ = 	snop  }
0x90: {  	(tm) =	ssettm $0x1  }
0x91: {  	s17 =	sld [smem:$0x3FFB];
	_ =	sdelay $0x3  }
0x92: {  	_ =	strace s17  }
0x93: {  	s2 =	sld [smem:$0x3FFC];
	_ =	sdelay $0x3  }
0x94: {  	_ =	strace s2  }
0x95: {  	s2 =	sld [smem:$0x3FFD];
	_ =	sdelay $0x3  }
0x96: {  	_ =	strace s2  }
0x97: {  	_ =	strace $0x8FFFFFFF  }
0x98: {  	s18 =	sld [smem:$0x3FDB];
	_ =	sdelay $0x1  }
0x99: {  	s19 =	simm.s32 $_scs_section_size  }
0x9a: {  	s4 =	simm.s32 $_size__tile_overlayer_lowered;
	s5 =	simm.s32 $_tile_overlayer_lowered  }
0x9b: {  	s22 =	simm.s32 $0x1BFF;
	s21 =	sshll.u32 s5, $0x1;
	s2 =	sadd.s32 s19, s18  }
0x9c: {  	s6 =	simm.s32 $0x0;
	s20 =	sshll.u32 s4, $0x1;
	s4 =	sadd.s32 s21, s2  }
0x9d: {  	[timem:s6], [sflag:s22] =	dma.local [hbm:s4], s20  }
0x9e: {  	_ =	swait.ge [sflag:s22], s20  }
0x9f: {  	s3 =	ssub.s32 $0x0, s20;
	[sflag:s22] =	ssyncset.done $0x0  }
0xa0: {  	[sflag:s22] =	ssyncadd.s32 s3;
	_ =	sdelay $0x1  }
0xa1: {  	s23 =	simm.s32 $0x1B8B  }
0xa2: {  	_ =	swait.ge [sflag:s23], $0x1  }
0xa3: {  	[sflag:s23] =	ssyncset.done $0x0  }
0xa4: {  	s25 =	simm.s32 $0x1B8E;
	s24 =	sld [smem:$0x3FFE];
	[sflag:s23] =	ssyncadd.s32 $0xFFFFFFFF  }
0xa5: {  	s26 =	simm.s32 $execute0_lowered;
	[smem:$0x3FD2] =	sst s25  }
0xa6: {  	s4 =	sshll.u32 s26, $0x1;
	_ =	strace $0x80000049;
	[dreg:$0x1] =	wrdreg $0xFFFFFFFF  }
0xa7: {  	s28 =	simm.s32 $_size_execute0_lowered;
	s2 =	sadd.s32 s2, s4;
	[dreg:$0x0] =	wrdreg $0x0  }
0xa8: {  	s4 =	sshll.u32 s28, $0x1;
	[dreg:$0x2] =	wrdreg s2  }
0xa9: {  	[dreg:$0x3] =	wrdreg s4  }
0xaa: {  	[dreg:$0x4] =	wrdreg $0xC0  }
0xab: {  	_ =	task [dreg:s6], $0x5FFFF  }
0xac: {  	[dreg:$0x1] =	wrdreg $0xFFFFFFFF  }
0xad: {  	[dreg:$0x0] =	wrdreg $0x60  }
0xae: {  	[dreg:$0x2] =	wrdreg s24  }
0xaf: {  	[dreg:$0x3] =	wrdreg $0x40000  }
0xb0: {  	[dreg:$0x4] =	wrdreg $0x9  }
0xb1: {  	_ =	task.clear_ibuf [dreg:s6], $0x5FFFF;
	_ =	strace $0x90000049  }
0xb2: {  	s29 =	simm.s32 $0x9;
	_ =	strace $0x8000004B  }
0xb3: {  	_ =	swait.ge [sflag:s29], $0x1  }
0xb4: {  	[sflag:s29] =	ssyncadd.s32 $0xFFFFFFFF  }
0xb5: {  	_ =	strace $0x9000004B  }
0xb6: {  	_ =	sfence  }
0xb7: {  	s30 =	sld [smem:$0x0];
	_ =	sdelay $0x2  }
0xb8: {  	s31 =	sshll.u32 s1, $0xD;
	s1 =	sshrl.u32 s1, $0x2  }
0xb9: {  	s3 =	sand.u32 $0x4000, s31;
	s1 =	sadd.s32 s1, s30  }
0xba: {  	s0 =	sor.u32 s3, s0;
	s1 =	sshll.u32 s1, $0x11  }
0xbb: {  	s0 =	sor.u32 s1, s0  }
0xbc: {  	s0 =	sadd.s32 $0x8F2B, s0  }
0xbd: {  	[sflag:s0] =	ssyncadd.remote.s32 $0x1  }
0xbe: {  	_ =	sfence.sel $0xFFFF  }
0xbf: {  	[dreg:$0x0] =	wrdreg $0xFFFFFFFF;
	(pc) =	sbr.abs _section_cstart, $3  }
0xc0: {  	[dreg:$0x1] =	wrdreg $0xFFFFFFFF  }
0xc1: {  	_ =	task.clear_ibuf [dreg:s6], $0x2FFFF;
	_ =	strace $0x9FFFFFFF  }
0xc2: {  	(tm) =	ssettm $0x7FFFFFFF  }
0xc3: {  	_ =	shalt  }
tec
execute0_lowered:
.L_overlay_start_1:
0x0: {  	(tag) =	ssettag $0x1  }
0x1: {  	s4 =	rddreg [dreg:$0x0]  }
0x2: {  	s3 =	rddreg [dreg:$0x1]  }
0x3: {  	s0 =	rddreg [dreg:$0x2]  }
0x4: {  	s1 =	stileid.u32;
	s2 =	simm.s32 $0x0;
	s5 =	srdreg.scid  }
0x5: {  	s13 =	simm.s32 $0x0;
	s6 =	smul.u32 $0x50000, s1;
	[smem:$0x7FF] =	sst s2  }
0x6: {  	s5 =	sand.u32 $0x1, s5;
	s10 =	smul.u32 $0x2800, s1;
	s31 =	sshll.u32 s1, $0x6  }
0x7: {  	s7 =	smul.u32 $0x28000, s5;
	s5 =	ssub.s32 $0x2, s5;
	s6 =	sshrl.u32 s6, $0x2  }
0x8: {  	_ =	strace $0x8000004A;
	s8 =	sshrl.u32 s5, $0x1;
	s3 =	sadd.s32 s6, s3  }
0x9: {  	s9 =	sadd.s32 s7, s4;
	s8 =	ssub.s32 s5, s8;
	s4 =	sadd.s32 $0x4000, s3  }
0xa: {  	s5 =	sadd.s32 $0x8000, s3;
	s6 =	sadd.s32 $0xC000, s3;
	s7 =	sadd.s32 $0x10000, s3  }
0xb: {  	s11 =	sadd.s32 $0x5C800, s9;
	s8 =	smax.u32 s8, $0x1;
	s9 =	simm.s32 $0x1  }
0xc: {  	v0 =	vimm.f32 $0.0e+00;
	s12 =	sshrl.u32 s3, $0x3;
	s10 =	sadd.s32 s10, s11;
	s11 =	sor.u32 $0x1C01, s31  }
.LBB2_1:
0xd: {  	s15 =	simm.s32 $0x200;
	s14 =	simm.s32 $0x0  }
.LBB2_2:
0xe: {  	p0 =	sne.s32 s15, $0xFE00;
	[tilespmem:s14+$0x30] =	vst v0;
	s16 =	smov.u32 s15;
	s15 =	sadd.s32 $0x200, s15  }
.Ltmp0:
0xf: {  	[tilespmem:s14+$0x20] =	vst v0;
	(pc) =	sbr.rel @p0 .LBB2_2-.Ltmp0, $3  }
0x10: {  	[tilespmem:s14+$0x0] =	vst v0  }
0x11: {  	[tilespmem:s14+$0x10] =	vst v0;
	_ =	sdelay $0x1  }
0x12: {  	s14 =	sshra.s32 s16, $0x2  }
0x13: {  	[tilespmem:s14+$0x30] =	vst v0  }
0x14: {  	[tilespmem:s14+$0x20] =	vst v0  }
0x15: {  	[tilespmem:s14+$0x0] =	vst v0  }
0x16: {  	[tilespmem:s14+$0x10] =	vst v0  }
0x17: {  	[spmem:s3] =	stream.linear.scatter [tilespmem:s2], [sflag:$0x1], $0x4000, $0x38;
	[tilespmem:$0xE000] =	vst v63  }
0x18: {  	_ =	swait.ge [sflag:s9], $0x4000  }
0x19: {  	[sflag:s9] =	ssyncset.done $0x0  }
0x1a: {  	[sflag:s9] =	ssyncadd.s32 $0xFFFFC000  }
0x1b: {  	[spmem:s4] =	stream.linear.scatter [tilespmem:s2], [sflag:$0x1], $0x4000, $0x38;
	[tilespmem:$0xE000] =	vst v63  }
0x1c: {  	_ =	swait.ge [sflag:s9], $0x4000  }
0x1d: {  	[sflag:s9] =	ssyncset.done $0x0  }
0x1e: {  	[sflag:s9] =	ssyncadd.s32 $0xFFFFC000  }
0x1f: {  	[spmem:s5] =	stream.linear.scatter [tilespmem:s2], [sflag:$0x1], $0x4000, $0x38;
	[tilespmem:$0xE000] =	vst v63  }
0x20: {  	_ =	swait.ge [sflag:s9], $0x4000  }
0x21: {  	[sflag:s9] =	ssyncset.done $0x0  }
0x22: {  	[sflag:s9] =	ssyncadd.s32 $0xFFFFC000  }
0x23: {  	[spmem:s6] =	stream.linear.scatter [tilespmem:s2], [sflag:$0x1], $0x4000, $0x38;
	[tilespmem:$0xE000] =	vst v63  }
0x24: {  	_ =	swait.ge [sflag:s9], $0x4000  }
0x25: {  	[sflag:s9] =	ssyncset.done $0x0  }
0x26: {  	[sflag:s9] =	ssyncadd.s32 $0xFFFFC000  }
0x27: {  	[spmem:s7] =	stream.linear.scatter [tilespmem:s2], [sflag:$0x1], $0x4000, $0x38;
	[tilespmem:$0xE000] =	vst v63  }
0x28: {  	_ =	swait.ge [sflag:s9], $0x4000  }
0x29: {  	[sflag:s9] =	ssyncset.done $0x0  }
0x2a: {  	s13 =	sadd.s32 $0x1, s13;
	[sflag:s9] =	ssyncadd.s32 $0xFFFFC000  }
0x2b: {  	p0 =	sne.s32 s13, s8;
	[bflag:$0x0] =	sbarrier.arrive $0xFFFF  }
.Ltmp1:
0x2c: {  	[bflag:$0x0] =	sbarrier.arrive $0xFFFF;
	(pc) =	sbr.rel @p0 .LBB2_1-.Ltmp1, $4  }
0x2d: {  	[hbm:s10], [sflag:s11] =	dma.local [spmem:s12], $0x2800  }
0x2e: {  	_ =	swait.ge [sflag:s9], $0x2800  }
0x2f: {  	[sflag:s9] =	ssyncset.done $0x0  }
0x30: {  	[sflag:s9] =	ssyncadd.s32 $0xFFFFD800  }
0x31: {  	_ =	sfence.sel $0x180000  }
0x32: {  	[bflag:$0x0] =	sbarrier.arrive $0xFFFF  }
0x33: {  	p0 =	sne.s32 s1, $0x0;
	_ =	strace $0x9000004A  }
0x34: {  	s0 =	sadd.s32 @!p0 $0x100000, s0;
	[bflag:$0x2] =	sbarrier.arrive $0xFFFF  }
0x35: {  	[sflag:s0] =	ssyncadd.tile.s32 @!p0 $0x1;
	_ =	shalt  }
.Lfunc_end2:
_tile_overlayer_lowered:
.L_overlay_start_2:
0x36: {  	(tag) =	ssettag $0x2  }
0x37: {  	s0 =	rddreg [dreg:$0x0];
	s2 =	stileid.u32  }
0x38: {  	s1 =	rddreg [dreg:$0x1];
	p0 =	sne.s32 s2, $0x0  }
0x39: {  	s3 =	rddreg [dreg:$0x2];
	[bflag:$0x3] =	sbarrier.arrive $0xFFFF;
	s2 =	simm.s32 @!p0 $0x1C01  }
0x3a: {  	[timem:s3], [sflag:s2] =	dma.local @!p0 [hbm:s0], s1  }
0x3b: {  	s0 =	simm.s32 @!p0 $0x1  }
0x3c: {  	_ =	swait.ge @!p0 [sflag:s0], s1  }
0x3d: {  	s1 =	ssub.s32 @!p0 $0x0, s1;
	[sflag:s0] =	ssyncset.done @!p0 $0x0  }
0x3e: {  	[sflag:s0] =	ssyncadd.s32 @!p0 s1  }
0x3f: {  	[bflag:$0x3] =	sbarrier.arrive $0xFFFF  }
0x40: {  	_ =	shalt  }

// kernel: kernel.14.cloned.1.call-start
scs
__scs_entry_jumppad:
0x0: {  	(pc) =	sbr.rel $0x88, $3  }
0x1: {  	(tag) =	ssettag $0x0;
	lr =	simm.s32 $0x1  }
0x2: {  	[smem:$0x3F96] =	sst lr;
	_ =	strace $0xD0000000  }
0x3: {  	_ = 	snop  }
0x4: {  	_ = 	snop  }
0x5: {  	_ = 	snop  }
0x6: {  	_ = 	snop  }
0x7: {  	_ = 	snop  }
__scs_overlays_trampoline_lowered:
0x8: {  	[smem:$0x3FA5] =	sst s0  }
0x9: {  	[smem:$0x3FA6] =	sst s1  }
0xa: {  	[smem:$0x3FA7] =	sst s2  }
0xb: {  	[smem:$0x3FA8] =	sst s3  }
0xc: {  	[smem:$0x3FA9] =	sst s4  }
0xd: {  	[smem:$0x3FAA] =	sst s5  }
0xe: {  	[smem:$0x3FAB] =	sst s6  }
0xf: {  	[smem:$0x3FAC] =	sst s7  }
0x10: {  	[smem:$0x3FAD] =	sst s8  }
0x11: {  	[smem:$0x3FAE] =	sst s9;
	s0 =	simm.s32 @!p0 $0x0  }
0x12: {  	s1 =	sld [smem:$0x3F94];
	s0 =	simm.s32 @p0 $0x1  }
0x13: {  	[smem:$0x3FAF] =	sst s0;
	s0 =	simm.s32 @!p1 $0x0  }
0x14: {  	s2 =	sld [smem:$0x3F93];
	s0 =	simm.s32 @p1 $0x1  }
0x15: {  	[smem:$0x3FB0] =	sst s0;
	s0 =	simm.s32 @!p2 $0x0  }
0x16: {  	s3 =	sld [smem:$0x3FDB];
	s0 =	simm.s32 @p2 $0x1  }
0x17: {  	s4 =	simm.s32 $0x1BF5;
	[smem:$0x3FB2] =	sst s0  }
0x18: {  	s0 =	sld [smem:$0x3F95];
	_ =	swait.ge [sflag:s4], $0x0  }
0x19: {  	s7 =	sld [smem:$0x3F96]  }
0x1a: {  	s8 =	sadd.s32 $0xFFFFE003, lr  }
0x1b: {  	s9 =	sadd.s32 $0xFFFFFEF7, lr;
	s5 =	simm.s32 $0xFFFFFFFF;
	p2 =	slt.u32 s8, $0xFFFFF086  }
0x1c: {  	p1 =	slt.u32 s9, $0xF7A;
	s5 =	simm.s32 @!p2 $0x0  }
0x1d: {  	s5 =	simm.s32 @p1 $0x1;
	p0 =	seq.s32 s7, s2  }
0x1e: {  	s7 =	smul.u32 @!p0 $0xF7A, s2;
	p2 =	seq.s32 @!p0 s5, $0x0  }
0x1f: {  	s9 =	smul.u32 $0xF7A, s1;
	s8 =	simm.s32 @!p0 $0x1BF5;
	p2 =	por !p2, p0  }
0x20: {  	[sflag:s8] =	ssyncset.s32 @!p0 $0xFFFFF086;
	s6 =	sadd.s32 @!p0 s3, s7;
	s7 =	simm.s32 @!p0 $0x108  }
0x21: {  	s3 =	sadd.s32 s3, s9;
	s6 =	sadd.s32 @!p0 $0x88, s6;
	s7 =	simm.s32 @p2 $0x1082  }
0x22: {  	[simem:s7], [sflag:s8] =	dma.local @!p0 [hbm:s6], $0xF7A  }
0x23: {  	s9 =	sor.u32 $0xD0000000, s2;
	s6 =	simm.s32 $0x108;
	_ =	swait.ge @!p0 [sflag:s8], $0x0  }
0x24: {  	s3 =	sadd.s32 $0x88, s3;
	s6 =	simm.s32 @!p1 $0x1082;
	[sflag:s4] =	ssyncset.s32 $0xFFFFF086  }
0x25: {  	[simem:s6], [sflag:s4] =	dma.local [hbm:s3], $0xF7A  }
0x26: {  	[smem:$0x3F96] =	sst s1;
	(tag) =	ssettag s2;
	_ =	strace s9  }
0x27: {  	s1 =	sld [smem:$0x3FA6]  }
0x28: {  	s2 =	sld [smem:$0x3FA7]  }
0x29: {  	s4 =	sld [smem:$0x3FA9]  }
0x2a: {  	p0 =	seq.s32 s5, $0x0;
	s5 =	sld [smem:$0x3FAA]  }
0x2b: {  	s6 =	sld [smem:$0x3FAB]  }
0x2c: {  	s7 =	sld [smem:$0x3FAC]  }
0x2d: {  	s3 =	simm.s32 $0x108;
	s8 =	sld [smem:$0x3FAD]  }
0x2e: {  	s3 =	simm.s32 @!p0 $0x1082;
	s9 =	sld [smem:$0x3FAE]  }
0x2f: {  	lr =	sadd.s32 s0, s3;
	s0 =	sld [smem:$0x3FA5]  }
0x30: {  	s3 =	sld [smem:$0x3FA8]  }
0x31: {  	[smem:$0x3FB1] =	sst s10  }
0x32: {  	s10 =	sld [smem:$0x3FAF];
	_ =	sdelay $0x3  }
0x33: {  	p0 =	seq.s32 s10, $0x1;
	s10 =	sld [smem:$0x3FB1];
	_ =	sdelay $0x3  }
0x34: {  	[smem:$0x3FB1] =	sst s10  }
0x35: {  	s10 =	sld [smem:$0x3FB0];
	_ =	sdelay $0x3  }
0x36: {  	p1 =	seq.s32 s10, $0x1;
	s10 =	sld [smem:$0x3FB1];
	_ =	sdelay $0x3  }
0x37: {  	[smem:$0x3FB1] =	sst s10  }
0x38: {  	s10 =	sld [smem:$0x3FB2]  }
0x39: {  	_ = 	snop;
	(pc) =	sbr.ind lr, $3  }
0x3a: {  	_ = 	snop  }
0x3b: {  	_ = 	snop  }
0x3c: {  	p2 =	seq.s32 s10, $0x1;
	s10 =	sld [smem:$0x3FB1]  }
0x3d: {  	_ =	shalt  }
0x3e: {  	_ =	shalt  }
0x3f: {  	_ =	shalt  }
0x40: {  	_ =	shalt  }
0x41: {  	_ =	shalt  }
0x42: {  	_ =	shalt  }
0x43: {  	_ =	shalt  }
0x44: {  	_ =	shalt  }
0x45: {  	_ =	shalt  }
0x46: {  	_ =	shalt  }
0x47: {  	_ =	shalt  }
0x48: {  	_ =	shalt  }
0x49: {  	_ =	shalt  }
0x4a: {  	_ =	shalt  }
0x4b: {  	_ =	shalt  }
0x4c: {  	_ =	shalt  }
0x4d: {  	_ =	shalt  }
0x4e: {  	_ =	shalt  }
0x4f: {  	_ =	shalt  }
0x50: {  	_ =	shalt  }
0x51: {  	_ =	shalt  }
0x52: {  	_ =	shalt  }
0x53: {  	_ =	shalt  }
0x54: {  	_ =	shalt  }
0x55: {  	_ =	shalt  }
0x56: {  	_ =	shalt  }
0x57: {  	_ =	shalt  }
0x58: {  	_ =	shalt  }
0x59: {  	_ =	shalt  }
0x5a: {  	_ =	shalt  }
0x5b: {  	_ =	shalt  }
0x5c: {  	_ =	shalt  }
0x5d: {  	_ =	shalt  }
0x5e: {  	_ =	shalt  }
0x5f: {  	_ =	shalt  }
0x60: {  	_ =	shalt  }
0x61: {  	_ =	shalt  }
0x62: {  	_ =	shalt  }
0x63: {  	_ =	shalt  }
0x64: {  	_ =	shalt  }
0x65: {  	_ =	shalt  }
0x66: {  	_ =	shalt  }
0x67: {  	_ =	shalt  }
0x68: {  	_ =	shalt  }
0x69: {  	_ =	shalt  }
0x6a: {  	_ =	shalt  }
0x6b: {  	_ =	shalt  }
0x6c: {  	_ =	shalt  }
0x6d: {  	_ =	shalt  }
0x6e: {  	_ =	shalt  }
0x6f: {  	_ =	shalt  }
0x70: {  	_ =	shalt  }
0x71: {  	_ =	shalt  }
0x72: {  	_ =	shalt  }
0x73: {  	_ =	shalt  }
0x74: {  	_ =	shalt  }
0x75: {  	_ =	shalt  }
0x76: {  	_ =	shalt  }
0x77: {  	_ =	shalt  }
0x78: {  	_ =	shalt  }
0x79: {  	_ =	shalt  }
0x7a: {  	_ =	shalt  }
0x7b: {  	_ =	shalt  }
0x7c: {  	_ =	shalt  }
0x7d: {  	_ =	shalt  }
0x7e: {  	_ =	shalt  }
0x7f: {  	_ =	shalt  }
0x80: {  	_ =	shalt  }
0x81: {  	_ =	shalt  }
0x82: {  	_ =	shalt  }
0x83: {  	_ =	shalt  }
0x84: {  	_ =	shalt  }
0x85: {  	_ =	shalt  }
0x86: {  	_ =	shalt  }
0x87: {  	_ =	shalt  }
.Lfunc_end0:
.L_simem_size_0:
called_computation.2_lowered:
.L_overlay_start_0:
0x88: {  	s2 =	sld [smem:$0x3FD9]  }
0x89: {  	s3 =	sld [smem:$0x3FFE];
	_ =	sdelay $0x1  }
0x8a: {  	s1 =	srdreg.scid  }
0x8b: {  	s0 =	sand.u32 $0x1, s1  }
0x8c: {  	s16 =	sshll.u32 s0, $0xA;
	s2 =	sadd.s32 s3, s2  }
0x8d: {  	s2 =	sadd.s32 s2, s16  }
0x8e: {  	[smem:$0x3FBD] =	sst s2  }
0x8f: {  	_ = 	snop  }
0x90: {  	(tm) =	ssettm $0x1  }
0x91: {  	s17 =	sld [smem:$0x3FFB];
	_ =	sdelay $0x3  }
0x92: {  	_ =	strace s17  }
0x93: {  	s2 =	sld [smem:$0x3FFC];
	_ =	sdelay $0x3  }
0x94: {  	_ =	strace s2  }
0x95: {  	s2 =	sld [smem:$0x3FFD];
	_ =	sdelay $0x3  }
0x96: {  	_ =	strace s2  }
0x97: {  	_ =	strace $0x8FFFFFFF  }
0x98: {  	s18 =	sld [smem:$0x3FDB];
	_ =	sdelay $0x1  }
0x99: {  	s19 =	simm.s32 $_scs_section_size  }
0x9a: {  	s4 =	simm.s32 $_size__tile_overlayer_lowered;
	s5 =	simm.s32 $_tile_overlayer_lowered  }
0x9b: {  	s22 =	simm.s32 $0x1BFF;
	s21 =	sshll.u32 s5, $0x1;
	s2 =	sadd.s32 s19, s18  }
0x9c: {  	s6 =	simm.s32 $0x0;
	s20 =	sshll.u32 s4, $0x1;
	s4 =	sadd.s32 s21, s2  }
0x9d: {  	[timem:s6], [sflag:s22] =	dma.local [hbm:s4], s20  }
0x9e: {  	_ =	swait.ge [sflag:s22], s20  }
0x9f: {  	s3 =	ssub.s32 $0x0, s20;
	[sflag:s22] =	ssyncset.done $0x0  }
0xa0: {  	[sflag:s22] =	ssyncadd.s32 s3;
	_ =	sdelay $0x1  }
0xa1: {  	s23 =	simm.s32 $0x1B8B  }
0xa2: {  	_ =	swait.ge [sflag:s23], $0x1  }
0xa3: {  	[sflag:s23] =	ssyncset.done $0x0  }
0xa4: {  	s25 =	simm.s32 $0x1B8E;
	s24 =	sld [smem:$0x3FFE];
	[sflag:s23] =	ssyncadd.s32 $0xFFFFFFFF  }
0xa5: {  	s26 =	simm.s32 $execute0_lowered;
	[smem:$0x3FD2] =	sst s25  }
0xa6: {  	s4 =	sshll.u32 s26, $0x1;
	_ =	strace $0x8000004C;
	[dreg:$0x1] =	wrdreg $0xFFFFFFFF  }
0xa7: {  	s28 =	simm.s32 $_size_execute0_lowered;
	s2 =	sadd.s32 s2, s4;
	[dreg:$0x0] =	wrdreg $0x0  }
0xa8: {  	s4 =	sshll.u32 s28, $0x1;
	[dreg:$0x2] =	wrdreg s2  }
0xa9: {  	[dreg:$0x3] =	wrdreg s4  }
0xaa: {  	[dreg:$0x4] =	wrdreg $0xC0  }
0xab: {  	_ =	task [dreg:s6], $0x5FFFF  }
0xac: {  	[dreg:$0x1] =	wrdreg $0xFFFFFFFF  }
0xad: {  	[dreg:$0x0] =	wrdreg $0x60  }
0xae: {  	[dreg:$0x2] =	wrdreg s24  }
0xaf: {  	[dreg:$0x3] =	wrdreg $0x40000  }
0xb0: {  	[dreg:$0x4] =	wrdreg $0x9  }
0xb1: {  	_ =	task.clear_ibuf [dreg:s6], $0x5FFFF;
	_ =	strace $0x9000004C  }
0xb2: {  	s29 =	simm.s32 $0x9;
	_ =	strace $0x8000004E  }
0xb3: {  	_ =	swait.ge [sflag:s29], $0x1  }
0xb4: {  	[sflag:s29] =	ssyncadd.s32 $0xFFFFFFFF  }
0xb5: {  	_ =	strace $0x9000004E  }
0xb6: {  	_ =	sfence  }
0xb7: {  	s30 =	sld [smem:$0x0];
	_ =	sdelay $0x2  }
0xb8: {  	s31 =	sshll.u32 s1, $0xD;
	s1 =	sshrl.u32 s1, $0x2  }
0xb9: {  	s3 =	sand.u32 $0x4000, s31;
	s1 =	sadd.s32 s1, s30  }
0xba: {  	s0 =	sor.u32 s3, s0;
	s1 =	sshll.u32 s1, $0x11  }
0xbb: {  	s0 =	sor.u32 s1, s0  }
0xbc: {  	s0 =	sadd.s32 $0x8F2B, s0  }
0xbd: {  	[sflag:s0] =	ssyncadd.remote.s32 $0x1  }
0xbe: {  	_ =	sfence.sel $0xFFFF  }
0xbf: {  	[dreg:$0x0] =	wrdreg $0xFFFFFFFF;
	(pc) =	sbr.abs _section_cstart, $3  }
0xc0: {  	[dreg:$0x1] =	wrdreg $0xFFFFFFFF  }
0xc1: {  	_ =	task.clear_ibuf [dreg:s6], $0x2FFFF;
	_ =	strace $0x9FFFFFFF  }
0xc2: {  	(tm) =	ssettm $0x7FFFFFFF  }
0xc3: {  	_ =	shalt  }
tec
execute0_lowered:
.L_overlay_start_1:
0x0: {  	(tag) =	ssettag $0x1  }
0x1: {  	s4 =	rddreg [dreg:$0x0]  }
0x2: {  	s3 =	rddreg [dreg:$0x1]  }
0x3: {  	s0 =	rddreg [dreg:$0x2]  }
0x4: {  	s1 =	stileid.u32;
	s2 =	simm.s32 $0x0;
	s5 =	srdreg.scid  }
0x5: {  	s13 =	simm.s32 $0x0;
	s6 =	smul.u32 $0x50000, s1;
	[smem:$0x7FF] =	sst s2  }
0x6: {  	s5 =	sand.u32 $0x1, s5;
	s10 =	smul.u32 $0x2800, s1;
	s31 =	sshll.u32 s1, $0x6  }
0x7: {  	s7 =	smul.u32 $0x28000, s5;
	s5 =	ssub.s32 $0x2, s5;
	s6 =	sshrl.u32 s6, $0x2  }
0x8: {  	_ =	strace $0x8000004D;
	s8 =	sshrl.u32 s5, $0x1;
	s3 =	sadd.s32 s6, s3  }
0x9: {  	s9 =	sadd.s32 s7, s4;
	s8 =	ssub.s32 s5, s8;
	s4 =	sadd.s32 $0x4000, s3  }
0xa: {  	s5 =	sadd.s32 $0x8000, s3;
	s6 =	sadd.s32 $0xC000, s3;
	s7 =	sadd.s32 $0x10000, s3  }
0xb: {  	s11 =	sadd.s32 $0x5C800, s9;
	s8 =	smax.u32 s8, $0x1;
	s9 =	simm.s32 $0x1  }
0xc: {  	v0 =	vimm.f32 $0.0e+00;
	s12 =	sshrl.u32 s3, $0x3;
	s10 =	sadd.s32 s10, s11;
	s11 =	sor.u32 $0x1C01, s31  }
.LBB2_1:
0xd: {  	s15 =	simm.s32 $0x200;
	s14 =	simm.s32 $0x0  }
.LBB2_2:
0xe: {  	p0 =	sne.s32 s15, $0xFE00;
	[tilespmem:s14+$0x30] =	vst v0;
	s16 =	smov.u32 s15;
	s15 =	sadd.s32 $0x200, s15  }
.Ltmp0:
0xf: {  	[tilespmem:s14+$0x20] =	vst v0;
	(pc) =	sbr.rel @p0 .LBB2_2-.Ltmp0, $3  }
0x10: {  	[tilespmem:s14+$0x0] =	vst v0  }
0x11: {  	[tilespmem:s14+$0x10] =	vst v0;
	_ =	sdelay $0x1  }
0x12: {  	s14 =	sshra.s32 s16, $0x2  }
0x13: {  	[tilespmem:s14+$0x30] =	vst v0  }
0x14: {  	[tilespmem:s14+$0x20] =	vst v0  }
0x15: {  	[tilespmem:s14+$0x0] =	vst v0  }
0x16: {  	[tilespmem:s14+$0x10] =	vst v0  }
0x17: {  	[spmem:s3] =	stream.linear.scatter [tilespmem:s2], [sflag:$0x1], $0x4000, $0x38;
	[tilespmem:$0xE000] =	vst v63  }
0x18: {  	_ =	swait.ge [sflag:s9], $0x4000  }
0x19: {  	[sflag:s9] =	ssyncset.done $0x0  }
0x1a: {  	[sflag:s9] =	ssyncadd.s32 $0xFFFFC000  }
0x1b: {  	[spmem:s4] =	stream.linear.scatter [tilespmem:s2], [sflag:$0x1], $0x4000, $0x38;
	[tilespmem:$0xE000] =	vst v63  }
0x1c: {  	_ =	swait.ge [sflag:s9], $0x4000  }
0x1d: {  	[sflag:s9] =	ssyncset.done $0x0  }
0x1e: {  	[sflag:s9] =	ssyncadd.s32 $0xFFFFC000  }
0x1f: {  	[spmem:s5] =	stream.linear.scatter [tilespmem:s2], [sflag:$0x1], $0x4000, $0x38;
	[tilespmem:$0xE000] =	vst v63  }
0x20: {  	_ =	swait.ge [sflag:s9], $0x4000  }
0x21: {  	[sflag:s9] =	ssyncset.done $0x0  }
0x22: {  	[sflag:s9] =	ssyncadd.s32 $0xFFFFC000  }
0x23: {  	[spmem:s6] =	stream.linear.scatter [tilespmem:s2], [sflag:$0x1], $0x4000, $0x38;
	[tilespmem:$0xE000] =	vst v63  }
0x24: {  	_ =	swait.ge [sflag:s9], $0x4000  }
0x25: {  	[sflag:s9] =	ssyncset.done $0x0  }
0x26: {  	[sflag:s9] =	ssyncadd.s32 $0xFFFFC000  }
0x27: {  	[spmem:s7] =	stream.linear.scatter [tilespmem:s2], [sflag:$0x1], $0x4000, $0x38;
	[tilespmem:$0xE000] =	vst v63  }
0x28: {  	_ =	swait.ge [sflag:s9], $0x4000  }
0x29: {  	[sflag:s9] =	ssyncset.done $0x0  }
0x2a: {  	s13 =	sadd.s32 $0x1, s13;
	[sflag:s9] =	ssyncadd.s32 $0xFFFFC000  }
0x2b: {  	p0 =	sne.s32 s13, s8;
	[bflag:$0x0] =	sbarrier.arrive $0xFFFF  }
.Ltmp1:
0x2c: {  	[bflag:$0x0] =	sbarrier.arrive $0xFFFF;
	(pc) =	sbr.rel @p0 .LBB2_1-.Ltmp1, $4  }
0x2d: {  	[hbm:s10], [sflag:s11] =	dma.local [spmem:s12], $0x2800  }
0x2e: {  	_ =	swait.ge [sflag:s9], $0x2800  }
0x2f: {  	[sflag:s9] =	ssyncset.done $0x0  }
0x30: {  	[sflag:s9] =	ssyncadd.s32 $0xFFFFD800  }
0x31: {  	_ =	sfence.sel $0x180000  }
0x32: {  	[bflag:$0x0] =	sbarrier.arrive $0xFFFF  }
0x33: {  	p0 =	sne.s32 s1, $0x0;
	_ =	strace $0x9000004D  }
0x34: {  	s0 =	sadd.s32 @!p0 $0x100000, s0;
	[bflag:$0x2] =	sbarrier.arrive $0xFFFF  }
0x35: {  	[sflag:s0] =	ssyncadd.tile.s32 @!p0 $0x1;
	_ =	shalt  }
.Lfunc_end2:
_tile_overlayer_lowered:
.L_overlay_start_2:
0x36: {  	(tag) =	ssettag $0x2  }
0x37: {  	s0 =	rddreg [dreg:$0x0];
	s2 =	stileid.u32  }
0x38: {  	s1 =	rddreg [dreg:$0x1];
	p0 =	sne.s32 s2, $0x0  }
0x39: {  	s3 =	rddreg [dreg:$0x2];
	[bflag:$0x3] =	sbarrier.arrive $0xFFFF;
	s2 =	simm.s32 @!p0 $0x1C01  }
0x3a: {  	[timem:s3], [sflag:s2] =	dma.local @!p0 [hbm:s0], s1  }
0x3b: {  	s0 =	simm.s32 @!p0 $0x1  }
0x3c: {  	_ =	swait.ge @!p0 [sflag:s0], s1  }
0x3d: {  	s1 =	ssub.s32 @!p0 $0x0, s1;
	[sflag:s0] =	ssyncset.done @!p0 $0x0  }
0x3e: {  	[sflag:s0] =	ssyncadd.s32 @!p0 s1  }
0x3f: {  	[bflag:$0x3] =	sbarrier.arrive $0xFFFF  }
0x40: {  	_ =	shalt  }

// kernel: kernel.8.cloned.1.call-start
scs
__scs_entry_jumppad:
0x0: {  	(pc) =	sbr.rel $0x88, $3  }
0x1: {  	(tag) =	ssettag $0x0;
	lr =	simm.s32 $0x1  }
0x2: {  	[smem:$0x3F96] =	sst lr;
	_ =	strace $0xD0000000  }
0x3: {  	_ = 	snop  }
0x4: {  	_ = 	snop  }
0x5: {  	_ = 	snop  }
0x6: {  	_ = 	snop  }
0x7: {  	_ = 	snop  }
__scs_overlays_trampoline_lowered:
0x8: {  	[smem:$0x3FA5] =	sst s0  }
0x9: {  	[smem:$0x3FA6] =	sst s1  }
0xa: {  	[smem:$0x3FA7] =	sst s2  }
0xb: {  	[smem:$0x3FA8] =	sst s3  }
0xc: {  	[smem:$0x3FA9] =	sst s4  }
0xd: {  	[smem:$0x3FAA] =	sst s5  }
0xe: {  	[smem:$0x3FAB] =	sst s6  }
0xf: {  	[smem:$0x3FAC] =	sst s7  }
0x10: {  	[smem:$0x3FAD] =	sst s8  }
0x11: {  	[smem:$0x3FAE] =	sst s9;
	s0 =	simm.s32 @!p0 $0x0  }
0x12: {  	s1 =	sld [smem:$0x3F94];
	s0 =	simm.s32 @p0 $0x1  }
0x13: {  	[smem:$0x3FAF] =	sst s0;
	s0 =	simm.s32 @!p1 $0x0  }
0x14: {  	s2 =	sld [smem:$0x3F93];
	s0 =	simm.s32 @p1 $0x1  }
0x15: {  	[smem:$0x3FB0] =	sst s0;
	s0 =	simm.s32 @!p2 $0x0  }
0x16: {  	s3 =	sld [smem:$0x3FDB];
	s0 =	simm.s32 @p2 $0x1  }
0x17: {  	s4 =	simm.s32 $0x1BF5;
	[smem:$0x3FB2] =	sst s0  }
0x18: {  	s0 =	sld [smem:$0x3F95];
	_ =	swait.ge [sflag:s4], $0x0  }
0x19: {  	s7 =	sld [smem:$0x3F96]  }
0x1a: {  	s8 =	sadd.s32 $0xFFFFE003, lr  }
0x1b: {  	s9 =	sadd.s32 $0xFFFFFEF7, lr;
	s5 =	simm.s32 $0xFFFFFFFF;
	p2 =	slt.u32 s8, $0xFFFFF086  }
0x1c: {  	p1 =	slt.u32 s9, $0xF7A;
	s5 =	simm.s32 @!p2 $0x0  }
0x1d: {  	s5 =	simm.s32 @p1 $0x1;
	p0 =	seq.s32 s7, s2  }
0x1e: {  	s7 =	smul.u32 @!p0 $0xF7A, s2;
	p2 =	seq.s32 @!p0 s5, $0x0  }
0x1f: {  	s9 =	smul.u32 $0xF7A, s1;
	s8 =	simm.s32 @!p0 $0x1BF5;
	p2 =	por !p2, p0  }
0x20: {  	[sflag:s8] =	ssyncset.s32 @!p0 $0xFFFFF086;
	s6 =	sadd.s32 @!p0 s3, s7;
	s7 =	simm.s32 @!p0 $0x108  }
0x21: {  	s3 =	sadd.s32 s3, s9;
	s6 =	sadd.s32 @!p0 $0x88, s6;
	s7 =	simm.s32 @p2 $0x1082  }
0x22: {  	[simem:s7], [sflag:s8] =	dma.local @!p0 [hbm:s6], $0xF7A  }
0x23: {  	s9 =	sor.u32 $0xD0000000, s2;
	s6 =	simm.s32 $0x108;
	_ =	swait.ge @!p0 [sflag:s8], $0x0  }
0x24: {  	s3 =	sadd.s32 $0x88, s3;
	s6 =	simm.s32 @!p1 $0x1082;
	[sflag:s4] =	ssyncset.s32 $0xFFFFF086  }
0x25: {  	[simem:s6], [sflag:s4] =	dma.local [hbm:s3], $0xF7A  }
0x26: {  	[smem:$0x3F96] =	sst s1;
	(tag) =	ssettag s2;
	_ =	strace s9  }
0x27: {  	s1 =	sld [smem:$0x3FA6]  }
0x28: {  	s2 =	sld [smem:$0x3FA7]  }
0x29: {  	s4 =	sld [smem:$0x3FA9]  }
0x2a: {  	p0 =	seq.s32 s5, $0x0;
	s5 =	sld [smem:$0x3FAA]  }
0x2b: {  	s6 =	sld [smem:$0x3FAB]  }
0x2c: {  	s7 =	sld [smem:$0x3FAC]  }
0x2d: {  	s3 =	simm.s32 $0x108;
	s8 =	sld [smem:$0x3FAD]  }
0x2e: {  	s3 =	simm.s32 @!p0 $0x1082;
	s9 =	sld [smem:$0x3FAE]  }
0x2f: {  	lr =	sadd.s32 s0, s3;
	s0 =	sld [smem:$0x3FA5]  }
0x30: {  	s3 =	sld [smem:$0x3FA8]  }
0x31: {  	[smem:$0x3FB1] =	sst s10  }
0x32: {  	s10 =	sld [smem:$0x3FAF];
	_ =	sdelay $0x3  }
0x33: {  	p0 =	seq.s32 s10, $0x1;
	s10 =	sld [smem:$0x3FB1];
	_ =	sdelay $0x3  }
0x34: {  	[smem:$0x3FB1] =	sst s10  }
0x35: {  	s10 =	sld [smem:$0x3FB0];
	_ =	sdelay $0x3  }
0x36: {  	p1 =	seq.s32 s10, $0x1;
	s10 =	sld [smem:$0x3FB1];
	_ =	sdelay $0x3  }
0x37: {  	[smem:$0x3FB1] =	sst s10  }
0x38: {  	s10 =	sld [smem:$0x3FB2]  }
0x39: {  	_ = 	snop;
	(pc) =	sbr.ind lr, $3  }
0x3a: {  	_ = 	snop  }
0x3b: {  	_ = 	snop  }
0x3c: {  	p2 =	seq.s32 s10, $0x1;
	s10 =	sld [smem:$0x3FB1]  }
0x3d: {  	_ =	shalt  }
0x3e: {  	_ =	shalt  }
0x3f: {  	_ =	shalt  }
0x40: {  	_ =	shalt  }
0x41: {  	_ =	shalt  }
0x42: {  	_ =	shalt  }
0x43: {  	_ =	shalt  }
0x44: {  	_ =	shalt  }
0x45: {  	_ =	shalt  }
0x46: {  	_ =	shalt  }
0x47: {  	_ =	shalt  }
0x48: {  	_ =	shalt  }
0x49: {  	_ =	shalt  }
0x4a: {  	_ =	shalt  }
0x4b: {  	_ =	shalt  }
0x4c: {  	_ =	shalt  }
0x4d: {  	_ =	shalt  }
0x4e: {  	_ =	shalt  }
0x4f: {  	_ =	shalt  }
0x50: {  	_ =	shalt  }
0x51: {  	_ =	shalt  }
0x52: {  	_ =	shalt  }
0x53: {  	_ =	shalt  }
0x54: {  	_ =	shalt  }
0x55: {  	_ =	shalt  }
0x56: {  	_ =	shalt  }
0x57: {  	_ =	shalt  }
0x58: {  	_ =	shalt  }
0x59: {  	_ =	shalt  }
0x5a: {  	_ =	shalt  }
0x5b: {  	_ =	shalt  }
0x5c: {  	_ =	shalt  }
0x5d: {  	_ =	shalt  }
0x5e: {  	_ =	shalt  }
0x5f: {  	_ =	shalt  }
0x60: {  	_ =	shalt  }
0x61: {  	_ =	shalt  }
0x62: {  	_ =	shalt  }
0x63: {  	_ =	shalt  }
0x64: {  	_ =	shalt  }
0x65: {  	_ =	shalt  }
0x66: {  	_ =	shalt  }
0x67: {  	_ =	shalt  }
0x68: {  	_ =	shalt  }
0x69: {  	_ =	shalt  }
0x6a: {  	_ =	shalt  }
0x6b: {  	_ =	shalt  }
0x6c: {  	_ =	shalt  }
0x6d: {  	_ =	shalt  }
0x6e: {  	_ =	shalt  }
0x6f: {  	_ =	shalt  }
0x70: {  	_ =	shalt  }
0x71: {  	_ =	shalt  }
0x72: {  	_ =	shalt  }
0x73: {  	_ =	shalt  }
0x74: {  	_ =	shalt  }
0x75: {  	_ =	shalt  }
0x76: {  	_ =	shalt  }
0x77: {  	_ =	shalt  }
0x78: {  	_ =	shalt  }
0x79: {  	_ =	shalt  }
0x7a: {  	_ =	shalt  }
0x7b: {  	_ =	shalt  }
0x7c: {  	_ =	shalt  }
0x7d: {  	_ =	shalt  }
0x7e: {  	_ =	shalt  }
0x7f: {  	_ =	shalt  }
0x80: {  	_ =	shalt  }
0x81: {  	_ =	shalt  }
0x82: {  	_ =	shalt  }
0x83: {  	_ =	shalt  }
0x84: {  	_ =	shalt  }
0x85: {  	_ =	shalt  }
0x86: {  	_ =	shalt  }
0x87: {  	_ =	shalt  }
.Lfunc_end0:
.L_simem_size_0:
called_computation_lowered:
.L_overlay_start_0:
0x88: {  	s2 =	sld [smem:$0x3FD9]  }
0x89: {  	s3 =	sld [smem:$0x3FFE];
	_ =	sdelay $0x1  }
0x8a: {  	s1 =	srdreg.scid  }
0x8b: {  	s0 =	sand.u32 $0x1, s1  }
0x8c: {  	s16 =	sshll.u32 s0, $0xA;
	s2 =	sadd.s32 s3, s2  }
0x8d: {  	s2 =	sadd.s32 s2, s16  }
0x8e: {  	[smem:$0x3FBD] =	sst s2  }
0x8f: {  	_ = 	snop  }
0x90: {  	(tm) =	ssettm $0x1  }
0x91: {  	s17 =	sld [smem:$0x3FFB];
	_ =	sdelay $0x3  }
0x92: {  	_ =	strace s17  }
0x93: {  	s2 =	sld [smem:$0x3FFC];
	_ =	sdelay $0x3  }
0x94: {  	_ =	strace s2  }
0x95: {  	s2 =	sld [smem:$0x3FFD];
	_ =	sdelay $0x3  }
0x96: {  	_ =	strace s2  }
0x97: {  	_ =	strace $0x8FFFFFFF  }
0x98: {  	s18 =	sld [smem:$0x3FDB];
	_ =	sdelay $0x1  }
0x99: {  	s19 =	simm.s32 $_scs_section_size  }
0x9a: {  	s4 =	simm.s32 $_size__tile_overlayer_lowered;
	s5 =	simm.s32 $_tile_overlayer_lowered  }
0x9b: {  	s22 =	simm.s32 $0x1BFF;
	s21 =	sshll.u32 s5, $0x1;
	s2 =	sadd.s32 s19, s18  }
0x9c: {  	s6 =	simm.s32 $0x0;
	s20 =	sshll.u32 s4, $0x1;
	s4 =	sadd.s32 s21, s2  }
0x9d: {  	[timem:s6], [sflag:s22] =	dma.local [hbm:s4], s20  }
0x9e: {  	_ =	swait.ge [sflag:s22], s20  }
0x9f: {  	s3 =	ssub.s32 $0x0, s20;
	[sflag:s22] =	ssyncset.done $0x0  }
0xa0: {  	[sflag:s22] =	ssyncadd.s32 s3;
	_ =	sdelay $0x1  }
0xa1: {  	s23 =	simm.s32 $0x1B8B  }
0xa2: {  	_ =	swait.ge [sflag:s23], $0x1  }
0xa3: {  	[sflag:s23] =	ssyncset.done $0x0  }
0xa4: {  	s25 =	simm.s32 $0x1B8E;
	s24 =	sld [smem:$0x3FFE];
	[sflag:s23] =	ssyncadd.s32 $0xFFFFFFFF  }
0xa5: {  	s26 =	simm.s32 $execute0_lowered;
	[smem:$0x3FD2] =	sst s25  }
0xa6: {  	s4 =	sshll.u32 s26, $0x1;
	_ =	strace $0x80000046;
	[dreg:$0x1] =	wrdreg $0xFFFFFFFF  }
0xa7: {  	s28 =	simm.s32 $_size_execute0_lowered;
	s2 =	sadd.s32 s2, s4;
	[dreg:$0x0] =	wrdreg $0x0  }
0xa8: {  	s4 =	sshll.u32 s28, $0x1;
	[dreg:$0x2] =	wrdreg s2  }
0xa9: {  	[dreg:$0x3] =	wrdreg s4  }
0xaa: {  	[dreg:$0x4] =	wrdreg $0xC0  }
0xab: {  	_ =	task [dreg:s6], $0x5FFFF  }
0xac: {  	[dreg:$0x1] =	wrdreg $0xFFFFFFFF  }
0xad: {  	[dreg:$0x0] =	wrdreg $0x60  }
0xae: {  	[dreg:$0x2] =	wrdreg s24  }
0xaf: {  	[dreg:$0x3] =	wrdreg $0x40000  }
0xb0: {  	[dreg:$0x4] =	wrdreg $0x9  }
0xb1: {  	_ =	task.clear_ibuf [dreg:s6], $0x5FFFF;
	_ =	strace $0x90000046  }
0xb2: {  	s29 =	simm.s32 $0x9;
	_ =	strace $0x80000048  }
0xb3: {  	_ =	swait.ge [sflag:s29], $0x1  }
0xb4: {  	[sflag:s29] =	ssyncadd.s32 $0xFFFFFFFF  }
0xb5: {  	_ =	strace $0x90000048  }
0xb6: {  	_ =	sfence  }
0xb7: {  	s30 =	sld [smem:$0x0];
	_ =	sdelay $0x2  }
0xb8: {  	s31 =	sshll.u32 s1, $0xD;
	s1 =	sshrl.u32 s1, $0x2  }
0xb9: {  	s3 =	sand.u32 $0x4000, s31;
	s1 =	sadd.s32 s1, s30  }
0xba: {  	s0 =	sor.u32 s3, s0;
	s1 =	sshll.u32 s1, $0x11  }
0xbb: {  	s0 =	sor.u32 s1, s0  }
0xbc: {  	s0 =	sadd.s32 $0x8F2B, s0  }
0xbd: {  	[sflag:s0] =	ssyncadd.remote.s32 $0x1  }
0xbe: {  	_ =	sfence.sel $0xFFFF  }
0xbf: {  	[dreg:$0x0] =	wrdreg $0xFFFFFFFF;
	(pc) =	sbr.abs _section_cstart, $3  }
0xc0: {  	[dreg:$0x1] =	wrdreg $0xFFFFFFFF  }
0xc1: {  	_ =	task.clear_ibuf [dreg:s6], $0x2FFFF;
	_ =	strace $0x9FFFFFFF  }
0xc2: {  	(tm) =	ssettm $0x7FFFFFFF  }
0xc3: {  	_ =	shalt  }
tec
execute0_lowered:
.L_overlay_start_1:
0x0: {  	(tag) =	ssettag $0x1  }
0x1: {  	s4 =	rddreg [dreg:$0x0]  }
0x2: {  	s3 =	rddreg [dreg:$0x1]  }
0x3: {  	s0 =	rddreg [dreg:$0x2]  }
0x4: {  	s1 =	stileid.u32;
	s2 =	simm.s32 $0x0;
	s5 =	srdreg.scid  }
0x5: {  	s13 =	simm.s32 $0x0;
	s6 =	smul.u32 $0x50000, s1;
	[smem:$0x7FF] =	sst s2  }
0x6: {  	s5 =	sand.u32 $0x1, s5;
	s10 =	smul.u32 $0x2800, s1;
	s31 =	sshll.u32 s1, $0x6  }
0x7: {  	s7 =	smul.u32 $0x28000, s5;
	s5 =	ssub.s32 $0x2, s5;
	s6 =	sshrl.u32 s6, $0x2  }
0x8: {  	_ =	strace $0x80000047;
	s8 =	sshrl.u32 s5, $0x1;
	s3 =	sadd.s32 s6, s3  }
0x9: {  	s9 =	sadd.s32 s7, s4;
	s8 =	ssub.s32 s5, s8;
	s4 =	sadd.s32 $0x4000, s3  }
0xa: {  	s5 =	sadd.s32 $0x8000, s3;
	s6 =	sadd.s32 $0xC000, s3;
	s7 =	sadd.s32 $0x10000, s3  }
0xb: {  	s11 =	sadd.s32 $0x5C800, s9;
	s8 =	smax.u32 s8, $0x1;
	s9 =	simm.s32 $0x1  }
0xc: {  	v0 =	vimm.f32 $0.0e+00;
	s12 =	sshrl.u32 s3, $0x3;
	s10 =	sadd.s32 s10, s11;
	s11 =	sor.u32 $0x1C01, s31  }
.LBB2_1:
0xd: {  	s15 =	simm.s32 $0x200;
	s14 =	simm.s32 $0x0  }
.LBB2_2:
0xe: {  	p0 =	sne.s32 s15, $0xFE00;
	[tilespmem:s14+$0x30] =	vst v0;
	s16 =	smov.u32 s15;
	s15 =	sadd.s32 $0x200, s15  }
.Ltmp0:
0xf: {  	[tilespmem:s14+$0x20] =	vst v0;
	(pc) =	sbr.rel @p0 .LBB2_2-.Ltmp0, $3  }
0x10: {  	[tilespmem:s14+$0x0] =	vst v0  }
0x11: {  	[tilespmem:s14+$0x10] =	vst v0;
	_ =	sdelay $0x1  }
0x12: {  	s14 =	sshra.s32 s16, $0x2  }
0x13: {  	[tilespmem:s14+$0x30] =	vst v0  }
0x14: {  	[tilespmem:s14+$0x20] =	vst v0  }
0x15: {  	[tilespmem:s14+$0x0] =	vst v0  }
0x16: {  	[tilespmem:s14+$0x10] =	vst v0  }
0x17: {  	[spmem:s3] =	stream.linear.scatter [tilespmem:s2], [sflag:$0x1], $0x4000, $0x38;
	[tilespmem:$0xE000] =	vst v63  }
0x18: {  	_ =	swait.ge [sflag:s9], $0x4000  }
0x19: {  	[sflag:s9] =	ssyncset.done $0x0  }
0x1a: {  	[sflag:s9] =	ssyncadd.s32 $0xFFFFC000  }
0x1b: {  	[spmem:s4] =	stream.linear.scatter [tilespmem:s2], [sflag:$0x1], $0x4000, $0x38;
	[tilespmem:$0xE000] =	vst v63  }
0x1c: {  	_ =	swait.ge [sflag:s9], $0x4000  }
0x1d: {  	[sflag:s9] =	ssyncset.done $0x0  }
0x1e: {  	[sflag:s9] =	ssyncadd.s32 $0xFFFFC000  }
0x1f: {  	[spmem:s5] =	stream.linear.scatter [tilespmem:s2], [sflag:$0x1], $0x4000, $0x38;
	[tilespmem:$0xE000] =	vst v63  }
0x20: {  	_ =	swait.ge [sflag:s9], $0x4000  }
0x21: {  	[sflag:s9] =	ssyncset.done $0x0  }
0x22: {  	[sflag:s9] =	ssyncadd.s32 $0xFFFFC000  }
0x23: {  	[spmem:s6] =	stream.linear.scatter [tilespmem:s2], [sflag:$0x1], $0x4000, $0x38;
	[tilespmem:$0xE000] =	vst v63  }
0x24: {  	_ =	swait.ge [sflag:s9], $0x4000  }
0x25: {  	[sflag:s9] =	ssyncset.done $0x0  }
0x26: {  	[sflag:s9] =	ssyncadd.s32 $0xFFFFC000  }
0x27: {  	[spmem:s7] =	stream.linear.scatter [tilespmem:s2], [sflag:$0x1], $0x4000, $0x38;
	[tilespmem:$0xE000] =	vst v63  }
0x28: {  	_ =	swait.ge [sflag:s9], $0x4000  }
0x29: {  	[sflag:s9] =	ssyncset.done $0x0  }
0x2a: {  	s13 =	sadd.s32 $0x1, s13;
	[sflag:s9] =	ssyncadd.s32 $0xFFFFC000  }
0x2b: {  	p0 =	sne.s32 s13, s8;
	[bflag:$0x0] =	sbarrier.arrive $0xFFFF  }
.Ltmp1:
0x2c: {  	[bflag:$0x0] =	sbarrier.arrive $0xFFFF;
	(pc) =	sbr.rel @p0 .LBB2_1-.Ltmp1, $4  }
0x2d: {  	[hbm:s10], [sflag:s11] =	dma.local [spmem:s12], $0x2800  }
0x2e: {  	_ =	swait.ge [sflag:s9], $0x2800  }
0x2f: {  	[sflag:s9] =	ssyncset.done $0x0  }
0x30: {  	[sflag:s9] =	ssyncadd.s32 $0xFFFFD800  }
0x31: {  	_ =	sfence.sel $0x180000  }
0x32: {  	[bflag:$0x0] =	sbarrier.arrive $0xFFFF  }
0x33: {  	p0 =	sne.s32 s1, $0x0;
	_ =	strace $0x90000047  }
0x34: {  	s0 =	sadd.s32 @!p0 $0x100000, s0;
	[bflag:$0x2] =	sbarrier.arrive $0xFFFF  }
0x35: {  	[sflag:s0] =	ssyncadd.tile.s32 @!p0 $0x1;
	_ =	shalt  }
.Lfunc_end2:
_tile_overlayer_lowered:
.L_overlay_start_2:
0x36: {  	(tag) =	ssettag $0x2  }
0x37: {  	s0 =	rddreg [dreg:$0x0];
	s2 =	stileid.u32  }
0x38: {  	s1 =	rddreg [dreg:$0x1];
	p0 =	sne.s32 s2, $0x0  }
0x39: {  	s3 =	rddreg [dreg:$0x2];
	[bflag:$0x3] =	sbarrier.arrive $0xFFFF;
	s2 =	simm.s32 @!p0 $0x1C01  }
0x3a: {  	[timem:s3], [sflag:s2] =	dma.local @!p0 [hbm:s0], s1  }
0x3b: {  	s0 =	simm.s32 @!p0 $0x1  }
0x3c: {  	_ =	swait.ge @!p0 [sflag:s0], s1  }
0x3d: {  	s1 =	ssub.s32 @!p0 $0x0, s1;
	[sflag:s0] =	ssyncset.done @!p0 $0x0  }
0x3e: {  	[sflag:s0] =	ssyncadd.s32 @!p0 s1  }
0x3f: {  	[bflag:$0x3] =	sbarrier.arrive $0xFFFF  }
0x40: {  	_ =	shalt  }

</sc_bundles>
